<compile_context>
chip_gen: v7x
topology: tpu7x:2x2x1
jax: 0.10.2.dev20260603
libtpu: 0.0.44.dev20260713+nightly
codegen_flags: <defaults>
</compile_context>

<pallas_src>
import functools

import jax
import jax.numpy as jnp
from jax import lax
from jax.experimental import pallas as pl
from jax.experimental.pallas import tpu as pltpu
from jax.experimental.pallas import tpu_sc as plsc

_THR = 0.8
_N = 1024
_CH = 128
_S = 32
_F = 5
_NC = 2
_L = 16


def _keep_kernel(raw_ref, tr_ref, num_ref, keep_ref):
    n = num_ref[0, 0, 0]
    tr = tr_ref[0]
    x1r, y1r, x2r, y2r = tr[0:1, :], tr[1:2, :], tr[2:3, :], tr[3:4, :]
    area_r = (x2r - x1r) * (y2r - y1r)
    ir = lax.broadcasted_iota(jnp.int32, (1, _N), 1)
    vr = ir < n
    icc = lax.broadcasted_iota(jnp.int32, (_CH, 1), 0)

    def body(ci, acc):
        a0 = ci * _CH
        ch = raw_ref[0, pl.ds(a0, _CH), :]
        vc = (icc + a0) < n
        x1c = jnp.where(vc, ch[:, 0:1], -jnp.inf)
        y1c = ch[:, 1:2]
        x2c, y2c = ch[:, 2:3], ch[:, 3:4]
        area_c = (x2c - ch[:, 0:1]) * (y2c - y1c)
        d = (x1c >= x1r) & (y1c >= y1r) & (x2c <= x2r) & (y2c <= y2r)
        w = jnp.where(d, jnp.broadcast_to(area_c, (_CH, _N)), 0.0)
        return acc + jnp.sum(w, axis=0, keepdims=True)

    nch = (n + _CH - 1) // _CH
    sum_self = lax.fori_loop(0, nch, body, jnp.zeros((1, _N), jnp.float32))
    keep = (sum_self <= (1.0 + _THR) * area_r + _THR * 1e-9) & vr
    keep_ref[0] = keep.astype(jnp.int32)


def _sc_compact_body(rows_hbm, keep_hbm, num_hbm, out_hbm, cnt_hbm,
                     keep_v, rows_v, out_v, num_v, cnt_v):
    wid = lax.axis_index("s") * _NC + lax.axis_index("c")
    pltpu.sync_copy(keep_hbm.at[wid], keep_v)
    pltpu.sync_copy(rows_hbm.at[wid], rows_v)
    pltpu.sync_copy(num_hbm.at[wid], num_v)
    n = num_v[...][0]

    li = lax.iota(jnp.int32, _L)
    dnums = lax.GatherDimensionNumbers(
        offset_dims=(), collapsed_slice_dims=(0,), start_index_map=(0,))

    def body(ci, base):
        k = keep_v[pl.ds(ci * _L, _L)]
        c = k
        for sh in (1, 2, 4, 8):
            idx = jnp.maximum(li - sh, 0)
            g = lax.gather(c, idx[:, None], dnums, slice_sizes=(1,),
                           mode=lax.GatherScatterMode.PROMISE_IN_BOUNDS)
            c = c + jnp.where(li >= sh, g, 0)
        ce = c - k
        for i in range(_L):
            row = rows_v[pl.ds((ci * _L + i) * _L, _L)]
            p = base + ce[i]
            out_v[pl.ds(p * _L, _L)] = row
        return base + c[_L - 1]

    nk = lax.fori_loop(0, (n + _L - 1) // _L, body, jnp.int32(0))

    zero = jnp.zeros((_L,), jnp.float32)

    def ztail(i, carry):
        out_v[pl.ds((nk + i) * _L, _L)] = zero
        return carry
    lax.fori_loop(0, _N - nk, ztail, 0)

    cnt_v[...] = jnp.full((_L,), nk, jnp.int32)
    lax.cond(nk > 0,
             lambda: pltpu.sync_copy(out_v, out_hbm.at[wid]),
             lambda: pltpu.sync_copy(rows_v, out_hbm.at[wid]))
    pltpu.sync_copy(cnt_v, cnt_hbm.at[wid])


_sc_compact = functools.partial(
    pl.kernel,
    mesh=plsc.VectorSubcoreMesh(core_axis_name="c", subcore_axis_name="s"),
    out_type=[
        jax.ShapeDtypeStruct((_S, _N * _L), jnp.float32),
        jax.ShapeDtypeStruct((_S, _L), jnp.int32),
    ],
    scratch_types=[
        pltpu.VMEM((_N,), jnp.int32),
        pltpu.VMEM((_N * _L,), jnp.float32),
        pltpu.VMEM((_N * _L,), jnp.float32),
        pltpu.VMEM((_L,), jnp.int32),
        pltpu.VMEM((_L,), jnp.int32),
    ],
)(_sc_compact_body)


def kernel(box_prompts, num_boxes):
    T, C, MAXB, F = box_prompts.shape
    raw = box_prompts.reshape(_S, MAXB, F)
    raw = jnp.pad(raw, ((0, 0), (0, _N - MAXB), (0, 0)))
    tr = raw.transpose(0, 2, 1)
    num = num_boxes.reshape(_S, 1, 1)
    keep = pl.pallas_call(
        _keep_kernel,
        grid=(_S,),
        in_specs=[
            pl.BlockSpec((1, _N, F), lambda i: (i, 0, 0)),
            pl.BlockSpec((1, F, _N), lambda i: (i, 0, 0)),
            pl.BlockSpec((1, 1, 1), lambda i: (i, 0, 0), memory_space=pltpu.SMEM),
        ],
        out_specs=pl.BlockSpec((1, 1, _N), lambda i: (i, 0, 0)),
        out_shape=jax.ShapeDtypeStruct((_S, 1, _N), jnp.int32),
        compiler_params=pltpu.CompilerParams(
            dimension_semantics=("parallel",)
        ),
    )(raw, tr, num)
    rows = jnp.pad(raw, ((0, 0), (0, 0), (0, _L - F))).reshape(_S, _N * _L)
    numv = jnp.broadcast_to(num_boxes.reshape(_S, 1), (_S, _L))
    out_rows, cnts = _sc_compact(rows, keep.reshape(_S, _N), numv)
    filtered = (out_rows.reshape(_S, _N, _L)[:, :MAXB, :F]
                .reshape(T, C, MAXB, F))
    return filtered, cnts[:, 0].reshape(T, C)

# --- scband reference (transcript-rebuilt; emitter-appended) ---
"""Pipeline reference for scband-box-prompt-filter-65360812311052 (READ-ONLY COPY).

The authoritative reference and input builder live on the scoring server;
editing this copy changes nothing except your own understanding.
"""

import jax, jax.numpy as jnp
import numpy as np

THRESHOLD = 0.8


def setup_inputs(seed: int = 0) -> dict:
    key = jax.random.key(seed)
    T, C, MAXB = 4, 8, 1000
    k1, k2, k3, k4 = jax.random.split(key, 4)
    xy = jax.random.uniform(k1, (T, C, MAXB, 2), minval=0.0, maxval=500.0, dtype=jnp.float32)
    wh = jax.random.uniform(k2, (T, C, MAXB, 2), minval=1.0, maxval=300.0, dtype=jnp.float32)
    scores = jax.random.uniform(k3, (T, C, MAXB, 1), dtype=jnp.float32)
    box_prompts = jnp.concatenate([xy, xy + wh, scores], axis=-1)
    num_boxes = jax.random.randint(k4, (T, C), 0, MAXB, dtype=jnp.int32)
    return {"box_prompts": box_prompts, "num_boxes": num_boxes}


def _filter_single(boxes, n_valid, max_boxes):
    # boxes: [max_boxes, 5]; n_valid: traced int32 scalar
    valid = jnp.arange(max_boxes) < n_valid
    x1, y1, x2, y2 = boxes[:, 0], boxes[:, 1], boxes[:, 2], boxes[:, 3]
    areas = (x2 - x1) * (y2 - y1)
    sort_key = jnp.where(valid, -areas, jnp.inf)
    sorted_idx = jnp.argsort(sort_key)  # valid boxes descending by area, invalid last
    sa = areas[sorted_idx]
    sx1 = x1[sorted_idx]
    sy1 = y1[sorted_idx]
    sx2 = x2[sorted_idx]
    sy2 = y2[sorted_idx]
    vs = valid[sorted_idx]
    is_contained = (
        (sx1[None, :] >= sx1[:, None])
        & (sy1[None, :] >= sy1[:, None])
        & (sx2[None, :] <= sx2[:, None])
        & (sy2[None, :] <= sy2[:, None])
    )
    is_contained = is_contained & (~jnp.eye(max_boxes, dtype=bool)) & vs[None, :] & vs[:, None]
    sum_contained = jnp.sum(is_contained.astype(jnp.float32) * sa[None, :], axis=1)
    keep = (sum_contained <= THRESHOLD * (sa + 1e-9)) & vs
    # map keep mask back to original box order (equivalent to sorting kept original indices)
    keep_orig = jnp.zeros((max_boxes,), dtype=bool).at[sorted_idx].set(keep)
    pos = jnp.cumsum(keep_orig.astype(jnp.int32)) - 1
    pos = jnp.where(keep_orig, pos, max_boxes)  # out-of-range -> dropped
    filtered = jnp.zeros_like(boxes).at[pos].set(boxes, mode="drop")
    num_kept = jnp.sum(keep_orig).astype(jnp.int32)
    any_kept = num_kept > 0
    # torch early-returns the ORIGINAL boxes (unmodified) with count 0 when nothing kept
    filtered = jnp.where(any_kept, filtered, boxes)
    num_kept = jnp.where(any_kept, num_kept, jnp.asarray(0, dtype=jnp.int32))
    return filtered, num_kept


def reference(box_prompts, num_boxes):
    T, C, MAXB, _ = box_prompts.shape
    out_rows = []
    num_rows = []
    for i in range(T):
        row_b = []
        row_n = []
        for j in range(C):
            fb, nk = _filter_single(box_prompts[i, j], num_boxes[i, j], MAXB)
            row_b.append(fb)
            row_n.append(nk)
        out_rows.append(jnp.stack(row_b))
        num_rows.append(jnp.stack(row_n))
    filtered_prompts = jnp.stack(out_rows)
    filtered_num = jnp.stack(num_rows)
    return filtered_prompts, filtered_num

if __name__ == "__main__":
    import jax
    _d = setup_inputs()
    print(jax.jit(kernel)(*tuple(_d.values())))

</pallas_src>

<mosaic_0001>
#map = affine_map<(d0, d1) -> (0, 0)>
module attributes {stable_mosaic.version = 14 : i64} {
  func.func @_sc_compact_body(%arg0: i32, %arg1: i32, %arg2: memref<32x16384xf32, #tpu.memory_space<hbm>>, %arg3: memref<32x1024xi32, #tpu.memory_space<hbm>>, %arg4: memref<32x16xi32, #tpu.memory_space<hbm>>, %arg5: memref<32x16384xf32, #tpu.memory_space<hbm>>, %arg6: memref<32x16xi32, #tpu.memory_space<hbm>>, %arg7: memref<1024xi32, #tpu.memory_space<vmem>>, %arg8: memref<16384xf32, #tpu.memory_space<vmem>>, %arg9: memref<16384xf32, #tpu.memory_space<vmem>>, %arg10: memref<16xi32, #tpu.memory_space<vmem>>, %arg11: memref<16xi32, #tpu.memory_space<vmem>>) attributes {dimension_semantics = [#tpu.dimension_semantics<core_parallel>, #tpu.dimension_semantics<subcore_parallel>], iteration_bounds = array<i64: 2, 16>, scalar_prefetch = 0 : i64, scratch_operands = 5 : i64, tpu.core_type = #tpu.core_type<sc_vector_subcore>, window_params = [{transform_indices = #map}, {transform_indices = #map}, {transform_indices = #map}, {transform_indices = #map}, {transform_indices = #map}]} {
    %mul3A = arith.constant 2 : i32
    %mul3A_0 = arith.muli %arg1, %mul3A : i32
    %add3A = arith.addi %mul3A_0, %arg0 : i32
    "tpu.region"() ({
      %run_scoped3A = tpu.sem_alloc : memref<!tpu.dma_semaphore, #tpu.memory_space<semaphore_mem>>
      %dma_start3A = arith.constant 0 : i32
      %dma_start3A_53 = tpu.memref_slice %arg3[%add3A, %dma_start3A] : memref<32x1024xi32, #tpu.memory_space<hbm>> -> memref<1x1024xi32, #tpu.memory_space<hbm>>
      %dma_start3A_54 = tpu.memref_squeeze %dma_start3A_53 : memref<1x1024xi32, #tpu.memory_space<hbm>> -> memref<1024xi32, #tpu.memory_space<hbm>>
      %dma_start3A_55 = arith.constant 0 : i32
      %dma_start3A_56 = tpu.memref_slice %arg3[%add3A, %dma_start3A_55] : memref<32x1024xi32, #tpu.memory_space<hbm>> -> memref<1x1024xi32, #tpu.memory_space<hbm>>
      %dma_start3A_57 = tpu.memref_squeeze %dma_start3A_56 : memref<1x1024xi32, #tpu.memory_space<hbm>> -> memref<1024xi32, #tpu.memory_space<hbm>>
      tpu.enqueue_dma source(%dma_start3A_57 : memref<1024xi32, #tpu.memory_space<hbm>>) target(%arg7 : memref<1024xi32, #tpu.memory_space<vmem>>) target_semaphore(%run_scoped3A : memref<!tpu.dma_semaphore, #tpu.memory_space<semaphore_mem>>)
      %dma_wait3A = arith.constant 0 : i32
      %dma_wait3A_58 = tpu.memref_slice %arg3[%add3A, %dma_wait3A] : memref<32x1024xi32, #tpu.memory_space<hbm>> -> memref<1x1024xi32, #tpu.memory_space<hbm>>
      %dma_wait3A_59 = tpu.memref_squeeze %dma_wait3A_58 : memref<1x1024xi32, #tpu.memory_space<hbm>> -> memref<1024xi32, #tpu.memory_space<hbm>>
      %dma_wait3A_60 = arith.constant 0 : i32
      %dma_wait3A_61 = tpu.memref_slice %arg3[%add3A, %dma_wait3A_60] : memref<32x1024xi32, #tpu.memory_space<hbm>> -> memref<1x1024xi32, #tpu.memory_space<hbm>>
      %dma_wait3A_62 = tpu.memref_squeeze %dma_wait3A_61 : memref<1x1024xi32, #tpu.memory_space<hbm>> -> memref<1024xi32, #tpu.memory_space<hbm>>
      tpu.wait_dma2 semaphore(%run_scoped3A : memref<!tpu.dma_semaphore, #tpu.memory_space<semaphore_mem>>) src(%dma_wait3A_62 : memref<1024xi32, #tpu.memory_space<hbm>>) dst(%arg7 : memref<1024xi32, #tpu.memory_space<vmem>>)
      tpu.yield
    }) : () -> ()
    "tpu.region"() ({
      %run_scoped3A = tpu.sem_alloc : memref<!tpu.dma_semaphore, #tpu.memory_space<semaphore_mem>>
      %dma_start3A = arith.constant 0 : i32
      %dma_start3A_53 = tpu.memref_slice %arg2[%add3A, %dma_start3A] : memref<32x16384xf32, #tpu.memory_space<hbm>> -> memref<1x16384xf32, #tpu.memory_space<hbm>>
      %dma_start3A_54 = tpu.memref_squeeze %dma_start3A_53 : memref<1x16384xf32, #tpu.memory_space<hbm>> -> memref<16384xf32, #tpu.memory_space<hbm>>
      %dma_start3A_55 = arith.constant 0 : i32
      %dma_start3A_56 = tpu.memref_slice %arg2[%add3A, %dma_start3A_55] : memref<32x16384xf32, #tpu.memory_space<hbm>> -> memref<1x16384xf32, #tpu.memory_space<hbm>>
      %dma_start3A_57 = tpu.memref_squeeze %dma_start3A_56 : memref<1x16384xf32, #tpu.memory_space<hbm>> -> memref<16384xf32, #tpu.memory_space<hbm>>
      tpu.enqueue_dma source(%dma_start3A_57 : memref<16384xf32, #tpu.memory_space<hbm>>) target(%arg8 : memref<16384xf32, #tpu.memory_space<vmem>>) target_semaphore(%run_scoped3A : memref<!tpu.dma_semaphore, #tpu.memory_space<semaphore_mem>>)
      %dma_wait3A = arith.constant 0 : i32
      %dma_wait3A_58 = tpu.memref_slice %arg2[%add3A, %dma_wait3A] : memref<32x16384xf32, #tpu.memory_space<hbm>> -> memref<1x16384xf32, #tpu.memory_space<hbm>>
      %dma_wait3A_59 = tpu.memref_squeeze %dma_wait3A_58 : memref<1x16384xf32, #tpu.memory_space<hbm>> -> memref<16384xf32, #tpu.memory_space<hbm>>
      %dma_wait3A_60 = arith.constant 0 : i32
      %dma_wait3A_61 = tpu.memref_slice %arg2[%add3A, %dma_wait3A_60] : memref<32x16384xf32, #tpu.memory_space<hbm>> -> memref<1x16384xf32, #tpu.memory_space<hbm>>
      %dma_wait3A_62 = tpu.memref_squeeze %dma_wait3A_61 : memref<1x16384xf32, #tpu.memory_space<hbm>> -> memref<16384xf32, #tpu.memory_space<hbm>>
      tpu.wait_dma2 semaphore(%run_scoped3A : memref<!tpu.dma_semaphore, #tpu.memory_space<semaphore_mem>>) src(%dma_wait3A_62 : memref<16384xf32, #tpu.memory_space<hbm>>) dst(%arg8 : memref<16384xf32, #tpu.memory_space<vmem>>)
      tpu.yield
    }) : () -> ()
    "tpu.region"() ({
      %run_scoped3A = tpu.sem_alloc : memref<!tpu.dma_semaphore, #tpu.memory_space<semaphore_mem>>
      %dma_start3A = arith.constant 0 : i32
      %dma_start3A_53 = tpu.memref_slice %arg4[%add3A, %dma_start3A] : memref<32x16xi32, #tpu.memory_space<hbm>> -> memref<1x16xi32, #tpu.memory_space<hbm>>
      %dma_start3A_54 = tpu.memref_squeeze %dma_start3A_53 : memref<1x16xi32, #tpu.memory_space<hbm>> -> memref<16xi32, #tpu.memory_space<hbm>>
      %dma_start3A_55 = arith.constant 0 : i32
      %dma_start3A_56 = tpu.memref_slice %arg4[%add3A, %dma_start3A_55] : memref<32x16xi32, #tpu.memory_space<hbm>> -> memref<1x16xi32, #tpu.memory_space<hbm>>
      %dma_start3A_57 = tpu.memref_squeeze %dma_start3A_56 : memref<1x16xi32, #tpu.memory_space<hbm>> -> memref<16xi32, #tpu.memory_space<hbm>>
      tpu.enqueue_dma source(%dma_start3A_57 : memref<16xi32, #tpu.memory_space<hbm>>) target(%arg10 : memref<16xi32, #tpu.memory_space<vmem>>) target_semaphore(%run_scoped3A : memref<!tpu.dma_semaphore, #tpu.memory_space<semaphore_mem>>)
      %dma_wait3A = arith.constant 0 : i32
      %dma_wait3A_58 = tpu.memref_slice %arg4[%add3A, %dma_wait3A] : memref<32x16xi32, #tpu.memory_space<hbm>> -> memref<1x16xi32, #tpu.memory_space<hbm>>
      %dma_wait3A_59 = tpu.memref_squeeze %dma_wait3A_58 : memref<1x16xi32, #tpu.memory_space<hbm>> -> memref<16xi32, #tpu.memory_space<hbm>>
      %dma_wait3A_60 = arith.constant 0 : i32
      %dma_wait3A_61 = tpu.memref_slice %arg4[%add3A, %dma_wait3A_60] : memref<32x16xi32, #tpu.memory_space<hbm>> -> memref<1x16xi32, #tpu.memory_space<hbm>>
      %dma_wait3A_62 = tpu.memref_squeeze %dma_wait3A_61 : memref<1x16xi32, #tpu.memory_space<hbm>> -> memref<16xi32, #tpu.memory_space<hbm>>
      tpu.wait_dma2 semaphore(%run_scoped3A : memref<!tpu.dma_semaphore, #tpu.memory_space<semaphore_mem>>) src(%dma_wait3A_62 : memref<16xi32, #tpu.memory_space<hbm>>) dst(%arg10 : memref<16xi32, #tpu.memory_space<vmem>>)
      tpu.yield
    }) : () -> ()
    %get3A = arith.constant 0 : index
    %get3A_1 = tpu.vector_load %arg10[%get3A] {strides = array<i32>} : memref<16xi32, #tpu.memory_space<vmem>>, vector<16xi32>,
    %get3A_2 = vector.shape_cast %get3A_1 : vector<16xi32> to vector<16xi32>
    %slice3A = vector.extract_strided_slice %get3A_2 {offsets = [0], sizes = [1], strides = [1]} : vector<16xi32> to vector<1xi32>
    %squeeze3A = vector.extract %slice3A[0] : i32 from vector<1xi32>
    %iota3A = tpu.iota {dimensions = array<i32: 0>} : vector<16xi32>
    %add3A_3 = arith.constant 16 : i32
    %add3A_4 = arith.addi %squeeze3A, %add3A_3 : i32
    %sub3A = arith.constant 1 : i32
    %sub3A_5 = arith.subi %add3A_4, %sub3A : i32
    %jit3A = arith.constant 16 : i32
    %div3A = arith.divsi %sub3A_5, %jit3A : i32
    %sign3A = arith.constant 0 : i32
    %sign3A_6 = arith.cmpi sgt, %sub3A_5, %sign3A : i32
    %sign3A_7 = arith.extui %sign3A_6 : i1 to i32
    %sign3A_8 = arith.constant 0 : i32
    %sign3A_9 = arith.cmpi slt, %sub3A_5, %sign3A_8 : i32
    %sign3A_10 = arith.extui %sign3A_9 : i1 to i32
    %sign3A_11 = arith.subi %sign3A_7, %sign3A_10 : i32
    %sign3A_12 = arith.constant 0 : i32
    %sign3A_13 = arith.cmpi sgt, %jit3A, %sign3A_12 : i32
    %sign3A_14 = arith.extui %sign3A_13 : i1 to i32
    %sign3A_15 = arith.constant 0 : i32
    %sign3A_16 = arith.cmpi slt, %jit3A, %sign3A_15 : i32
    %sign3A_17 = arith.extui %sign3A_16 : i1 to i32
    %sign3A_18 = arith.subi %sign3A_14, %sign3A_17 : i32
    %ne3A = arith.cmpi ne, %sign3A_11, %sign3A_18 : i32
    %rem3A = arith.remsi %sub3A_5, %jit3A : i32
    %ne3A_19 = arith.constant 0 : i32
    %ne3A_20 = arith.cmpi ne, %rem3A, %ne3A_19 : i32
    %and3A = arith.andi %ne3A, %ne3A_20 : i1
    %sub3A_21 = arith.constant 1 : i32
    %sub3A_22 = arith.subi %div3A, %sub3A_21 : i32
    %select_n3A = arith.select %and3A, %sub3A_22, %div3A : i32
    %while3A = arith.constant 0 : i32
    %while3A_23 = arith.constant 0 : i32
    %while3A_24 = arith.subi %select_n3A, %while3A : i32
    %while3A_25 = arith.addi %while3A, %while3A_24 : i32
    %while3A_26 = arith.constant 1 : i32
    %while3A_27 = arith.divsi %while3A_24, %while3A_26 : i32
    %while3A_28 = arith.muli %while3A_27, %while3A_26 : i32
    %while3A_29 = arith.addi %while3A, %while3A_28 : i32
    %while3A_30 = arith.constant 1 : i32
    %while3A_31 = scf.for %while3A_53 = %while3A to %while3A_29 step %while3A_30 iter_args(%while3A_54 = %while3A_23) -> (i32)  : i32 {
      %mul3A_55 = arith.constant 16 : i32
      %mul3A_56 = arith.muli %while3A_53, %mul3A_55 : i32
      %get3A_57 = arith.index_cast %mul3A_56 : i32 to index
      %get3A_58 = tpu.vector_load %arg7[%get3A_57] {strides = array<i32>} : memref<1024xi32, #tpu.memory_space<vmem>>, vector<16xi32>,
      %get3A_59 = vector.shape_cast %get3A_58 : vector<16xi32> to vector<16xi32>
      %sub3A_60 = arith.constant 1 : i32
      %sub3A_61 = vector.broadcast %sub3A_60 : i32 to vector<16xi32>
      %sub3A_62 = arith.subi %iota3A, %sub3A_61 : vector<16xi32>
      %max3A = arith.constant 0 : i32
      %max3A_63 = vector.broadcast %max3A : i32 to vector<16xi32>
      %max3A_64 = arith.maxsi %sub3A_62, %max3A_63 : vector<16xi32>
      %broadcast_in_dim3A_65 = vector.shape_cast %max3A_64 : vector<16xi32> to vector<16x1xi32>
      %gather3A = vector.shape_cast %broadcast_in_dim3A_65 : vector<16x1xi32> to vector<16xi32>
      %gather3A_66 = tpu.dynamic_gather %get3A_59[%gather3A] in [0] : vector<16xi32>, vector<16xi32> -> vector<16xi32>
      %ge3A = arith.constant 1 : i32
      %ge3A_67 = vector.broadcast %ge3A : i32 to vector<16xi32>
      %ge3A_68 = arith.cmpi sge, %iota3A, %ge3A_67 : vector<16xi32>
      %jit3A_69 = arith.constant 0 : i32
      %broadcast_in_dim3A_70 = vector.broadcast %jit3A_69 : i32 to vector<16xi32>
      %select_n3A_71 = arith.select %ge3A_68, %gather3A_66, %broadcast_in_dim3A_70 : vector<16xi1>, vector<16xi32>
      %add3A_72 = arith.addi %get3A_59, %select_n3A_71 : vector<16xi32>
      %sub3A_73 = arith.constant 2 : i32
      %sub3A_74 = vector.broadcast %sub3A_73 : i32 to vector<16xi32>
      %sub3A_75 = arith.subi %iota3A, %sub3A_74 : vector<16xi32>
      %max3A_76 = arith.constant 0 : i32
      %max3A_77 = vector.broadcast %max3A_76 : i32 to vector<16xi32>
      %max3A_78 = arith.maxsi %sub3A_75, %max3A_77 : vector<16xi32>
      %broadcast_in_dim3A_79 = vector.shape_cast %max3A_78 : vector<16xi32> to vector<16x1xi32>
      %gather3A_80 = vector.shape_cast %broadcast_in_dim3A_79 : vector<16x1xi32> to vector<16xi32>
      %gather3A_81 = tpu.dynamic_gather %add3A_72[%gather3A_80] in [0] : vector<16xi32>, vector<16xi32> -> vector<16xi32>
      %ge3A_82 = arith.constant 2 : i32
      %ge3A_83 = vector.broadcast %ge3A_82 : i32 to vector<16xi32>
      %ge3A_84 = arith.cmpi sge, %iota3A, %ge3A_83 : vector<16xi32>
      %jit3A_85 = arith.constant 0 : i32
      %broadcast_in_dim3A_86 = vector.broadcast %jit3A_85 : i32 to vector<16xi32>
      %select_n3A_87 = arith.select %ge3A_84, %gather3A_81, %broadcast_in_dim3A_86 : vector<16xi1>, vector<16xi32>
      %add3A_88 = arith.addi %add3A_72, %select_n3A_87 : vector<16xi32>
      %sub3A_89 = arith.constant 4 : i32
      %sub3A_90 = vector.broadcast %sub3A_89 : i32 to vector<16xi32>
      %sub3A_91 = arith.subi %iota3A, %sub3A_90 : vector<16xi32>
      %max3A_92 = arith.constant 0 : i32
      %max3A_93 = vector.broadcast %max3A_92 : i32 to vector<16xi32>
      %max3A_94 = arith.maxsi %sub3A_91, %max3A_93 : vector<16xi32>
      %broadcast_in_dim3A_95 = vector.shape_cast %max3A_94 : vector<16xi32> to vector<16x1xi32>
      %gather3A_96 = vector.shape_cast %broadcast_in_dim3A_95 : vector<16x1xi32> to vector<16xi32>
      %gather3A_97 = tpu.dynamic_gather %add3A_88[%gather3A_96] in [0] : vector<16xi32>, vector<16xi32> -> vector<16xi32>
      %ge3A_98 = arith.constant 4 : i32
      %ge3A_99 = vector.broadcast %ge3A_98 : i32 to vector<16xi32>
      %ge3A_100 = arith.cmpi sge, %iota3A, %ge3A_99 : vector<16xi32>
      %jit3A_101 = arith.constant 0 : i32
      %broadcast_in_dim3A_102 = vector.broadcast %jit3A_101 : i32 to vector<16xi32>
      %select_n3A_103 = arith.select %ge3A_100, %gather3A_97, %broadcast_in_dim3A_102 : vector<16xi1>, vector<16xi32>
      %add3A_104 = arith.addi %add3A_88, %select_n3A_103 : vector<16xi32>
      %sub3A_105 = arith.constant 8 : i32
      %sub3A_106 = vector.broadcast %sub3A_105 : i32 to vector<16xi32>
      %sub3A_107 = arith.subi %iota3A, %sub3A_106 : vector<16xi32>
      %max3A_108 = arith.constant 0 : i32
      %max3A_109 = vector.broadcast %max3A_108 : i32 to vector<16xi32>
      %max3A_110 = arith.maxsi %sub3A_107, %max3A_109 : vector<16xi32>
      %broadcast_in_dim3A_111 = vector.shape_cast %max3A_110 : vector<16xi32> to vector<16x1xi32>
      %gather3A_112 = vector.shape_cast %broadcast_in_dim3A_111 : vector<16x1xi32> to vector<16xi32>
      %gather3A_113 = tpu.dynamic_gather %add3A_104[%gather3A_112] in [0] : vector<16xi32>, vector<16xi32> -> vector<16xi32>
      %ge3A_114 = arith.constant 8 : i32
      %ge3A_115 = vector.broadcast %ge3A_114 : i32 to vector<16xi32>
      %ge3A_116 = arith.cmpi sge, %iota3A, %ge3A_115 : vector<16xi32>
      %jit3A_117 = arith.constant 0 : i32
      %broadcast_in_dim3A_118 = vector.broadcast %jit3A_117 : i32 to vector<16xi32>
      %select_n3A_119 = arith.select %ge3A_116, %gather3A_113, %broadcast_in_dim3A_118 : vector<16xi1>, vector<16xi32>
      %add3A_120 = arith.addi %add3A_104, %select_n3A_119 : vector<16xi32>
      %sub3A_121 = arith.subi %add3A_120, %get3A_59 : vector<16xi32>
      %mul3A_122 = arith.constant 16 : i32
      %mul3A_123 = arith.muli %while3A_53, %mul3A_122 : i32
      %add3A_124 = arith.constant 0 : i32
      %add3A_125 = arith.addi %mul3A_123, %add3A_124 : i32
      %mul3A_126 = arith.constant 16 : i32
      %mul3A_127 = arith.muli %add3A_125, %mul3A_126 : i32
      %get3A_128 = arith.index_cast %mul3A_127 : i32 to index
      %get3A_129 = tpu.vector_load %arg8[%get3A_128] {strides = array<i32>} : memref<16384xf32, #tpu.memory_space<vmem>>, vector<16xf32>,
      %get3A_130 = vector.shape_cast %get3A_129 : vector<16xf32> to vector<16xf32>
      %slice3A_131 = vector.extract_strided_slice %sub3A_121 {offsets = [0], sizes = [1], strides = [1]} : vector<16xi32> to vector<1xi32>
      %squeeze3A_132 = vector.extract %slice3A_131[0] : i32 from vector<1xi32>
      %add3A_133 = arith.addi %while3A_54, %squeeze3A_132 : i32
      %mul3A_134 = arith.constant 16 : i32
      %mul3A_135 = arith.muli %add3A_133, %mul3A_134 : i32
      %swap3A_136 = arith.index_cast %mul3A_135 : i32 to index
      %swap3A_137 = tpu.vector_load %arg9[%swap3A_136] {strides = array<i32>} : memref<16384xf32, #tpu.memory_space<vmem>>, vector<16xf32>,
      %swap3A_138 = vector.shape_cast %swap3A_137 : vector<16xf32> to vector<16xf32>
      %swap3A_139 = vector.shape_cast %get3A_130 : vector<16xf32> to vector<16xf32>
      tpu.vector_store %arg9[%swap3A_136], %swap3A_139 {strides = array<i32>} : memref<16384xf32, #tpu.memory_space<vmem>>, vector<16xf32>,
      %mul3A_140 = arith.constant 16 : i32
      %mul3A_141 = arith.muli %while3A_53, %mul3A_140 : i32
      %add3A_142 = arith.constant 1 : i32
      %add3A_143 = arith.addi %mul3A_141, %add3A_142 : i32
      %mul3A_144 = arith.constant 16 : i32
      %mul3A_145 = arith.muli %add3A_143, %mul3A_144 : i32
      %get3A_146 = arith.index_cast %mul3A_145 : i32 to index
      %get3A_147 = tpu.vector_load %arg8[%get3A_146] {strides = array<i32>} : memref<16384xf32, #tpu.memory_space<vmem>>, vector<16xf32>,
      %get3A_148 = vector.shape_cast %get3A_147 : vector<16xf32> to vector<16xf32>
      %slice3A_149 = vector.extract_strided_slice %sub3A_121 {offsets = [1], sizes = [1], strides = [1]} : vector<16xi32> to vector<1xi32>
      %squeeze3A_150 = vector.extract %slice3A_149[0] : i32 from vector<1xi32>
      %add3A_151 = arith.addi %while3A_54, %squeeze3A_150 : i32
      %mul3A_152 = arith.constant 16 : i32
      %mul3A_153 = arith.muli %add3A_151, %mul3A_152 : i32
      %swap3A_154 = arith.index_cast %mul3A_153 : i32 to index
      %swap3A_155 = tpu.vector_load %arg9[%swap3A_154] {strides = array<i32>} : memref<16384xf32, #tpu.memory_space<vmem>>, vector<16xf32>,
      %swap3A_156 = vector.shape_cast %swap3A_155 : vector<16xf32> to vector<16xf32>
      %swap3A_157 = vector.shape_cast %get3A_148 : vector<16xf32> to vector<16xf32>
      tpu.vector_store %arg9[%swap3A_154], %swap3A_157 {strides = array<i32>} : memref<16384xf32, #tpu.memory_space<vmem>>, vector<16xf32>,
      %mul3A_158 = arith.constant 16 : i32
      %mul3A_159 = arith.muli %while3A_53, %mul3A_158 : i32
      %add3A_160 = arith.constant 2 : i32
      %add3A_161 = arith.addi %mul3A_159, %add3A_160 : i32
      %mul3A_162 = arith.constant 16 : i32
      %mul3A_163 = arith.muli %add3A_161, %mul3A_162 : i32
      %get3A_164 = arith.index_cast %mul3A_163 : i32 to index
      %get3A_165 = tpu.vector_load %arg8[%get3A_164] {strides = array<i32>} : memref<16384xf32, #tpu.memory_space<vmem>>, vector<16xf32>,
      %get3A_166 = vector.shape_cast %get3A_165 : vector<16xf32> to vector<16xf32>
      %slice3A_167 = vector.extract_strided_slice %sub3A_121 {offsets = [2], sizes = [1], strides = [1]} : vector<16xi32> to vector<1xi32>
      %squeeze3A_168 = vector.extract %slice3A_167[0] : i32 from vector<1xi32>
      %add3A_169 = arith.addi %while3A_54, %squeeze3A_168 : i32
      %mul3A_170 = arith.constant 16 : i32
      %mul3A_171 = arith.muli %add3A_169, %mul3A_170 : i32
      %swap3A_172 = arith.index_cast %mul3A_171 : i32 to index
      %swap3A_173 = tpu.vector_load %arg9[%swap3A_172] {strides = array<i32>} : memref<16384xf32, #tpu.memory_space<vmem>>, vector<16xf32>,
      %swap3A_174 = vector.shape_cast %swap3A_173 : vector<16xf32> to vector<16xf32>
      %swap3A_175 = vector.shape_cast %get3A_166 : vector<16xf32> to vector<16xf32>
      tpu.vector_store %arg9[%swap3A_172], %swap3A_175 {strides = array<i32>} : memref<16384xf32, #tpu.memory_space<vmem>>, vector<16xf32>,
      %mul3A_176 = arith.constant 16 : i32
      %mul3A_177 = arith.muli %while3A_53, %mul3A_176 : i32
      %add3A_178 = arith.constant 3 : i32
      %add3A_179 = arith.addi %mul3A_177, %add3A_178 : i32
      %mul3A_180 = arith.constant 16 : i32
      %mul3A_181 = arith.muli %add3A_179, %mul3A_180 : i32
      %get3A_182 = arith.index_cast %mul3A_181 : i32 to index
      %get3A_183 = tpu.vector_load %arg8[%get3A_182] {strides = array<i32>} : memref<16384xf32, #tpu.memory_space<vmem>>, vector<16xf32>,
      %get3A_184 = vector.shape_cast %get3A_183 : vector<16xf32> to vector<16xf32>
      %slice3A_185 = vector.extract_strided_slice %sub3A_121 {offsets = [3], sizes = [1], strides = [1]} : vector<16xi32> to vector<1xi32>
      %squeeze3A_186 = vector.extract %slice3A_185[0] : i32 from vector<1xi32>
      %add3A_187 = arith.addi %while3A_54, %squeeze3A_186 : i32
      %mul3A_188 = arith.constant 16 : i32
      %mul3A_189 = arith.muli %add3A_187, %mul3A_188 : i32
      %swap3A_190 = arith.index_cast %mul3A_189 : i32 to index
      %swap3A_191 = tpu.vector_load %arg9[%swap3A_190] {strides = array<i32>} : memref<16384xf32, #tpu.memory_space<vmem>>, vector<16xf32>,
      %swap3A_192 = vector.shape_cast %swap3A_191 : vector<16xf32> to vector<16xf32>
      %swap3A_193 = vector.shape_cast %get3A_184 : vector<16xf32> to vector<16xf32>
      tpu.vector_store %arg9[%swap3A_190], %swap3A_193 {strides = array<i32>} : memref<16384xf32, #tpu.memory_space<vmem>>, vector<16xf32>,
      %mul3A_194 = arith.constant 16 : i32
      %mul3A_195 = arith.muli %while3A_53, %mul3A_194 : i32
      %add3A_196 = arith.constant 4 : i32
      %add3A_197 = arith.addi %mul3A_195, %add3A_196 : i32
      %mul3A_198 = arith.constant 16 : i32
      %mul3A_199 = arith.muli %add3A_197, %mul3A_198 : i32
      %get3A_200 = arith.index_cast %mul3A_199 : i32 to index
      %get3A_201 = tpu.vector_load %arg8[%get3A_200] {strides = array<i32>} : memref<16384xf32, #tpu.memory_space<vmem>>, vector<16xf32>,
      %get3A_202 = vector.shape_cast %get3A_201 : vector<16xf32> to vector<16xf32>
      %slice3A_203 = vector.extract_strided_slice %sub3A_121 {offsets = [4], sizes = [1], strides = [1]} : vector<16xi32> to vector<1xi32>
      %squeeze3A_204 = vector.extract %slice3A_203[0] : i32 from vector<1xi32>
      %add3A_205 = arith.addi %while3A_54, %squeeze3A_204 : i32
      %mul3A_206 = arith.constant 16 : i32
      %mul3A_207 = arith.muli %add3A_205, %mul3A_206 : i32
      %swap3A_208 = arith.index_cast %mul3A_207 : i32 to index
      %swap3A_209 = tpu.vector_load %arg9[%swap3A_208] {strides = array<i32>} : memref<16384xf32, #tpu.memory_space<vmem>>, vector<16xf32>,
      %swap3A_210 = vector.shape_cast %swap3A_209 : vector<16xf32> to vector<16xf32>
      %swap3A_211 = vector.shape_cast %get3A_202 : vector<16xf32> to vector<16xf32>
      tpu.vector_store %arg9[%swap3A_208], %swap3A_211 {strides = array<i32>} : memref<16384xf32, #tpu.memory_space<vmem>>, vector<16xf32>,
      %mul3A_212 = arith.constant 16 : i32
      %mul3A_213 = arith.muli %while3A_53, %mul3A_212 : i32
      %add3A_214 = arith.constant 5 : i32
      %add3A_215 = arith.addi %mul3A_213, %add3A_214 : i32
      %mul3A_216 = arith.constant 16 : i32
      %mul3A_217 = arith.muli %add3A_215, %mul3A_216 : i32
      %get3A_218 = arith.index_cast %mul3A_217 : i32 to index
      %get3A_219 = tpu.vector_load %arg8[%get3A_218] {strides = array<i32>} : memref<16384xf32, #tpu.memory_space<vmem>>, vector<16xf32>,
      %get3A_220 = vector.shape_cast %get3A_219 : vector<16xf32> to vector<16xf32>
      %slice3A_221 = vector.extract_strided_slice %sub3A_121 {offsets = [5], sizes = [1], strides = [1]} : vector<16xi32> to vector<1xi32>
      %squeeze3A_222 = vector.extract %slice3A_221[0] : i32 from vector<1xi32>
      %add3A_223 = arith.addi %while3A_54, %squeeze3A_222 : i32
      %mul3A_224 = arith.constant 16 : i32
      %mul3A_225 = arith.muli %add3A_223, %mul3A_224 : i32
      %swap3A_226 = arith.index_cast %mul3A_225 : i32 to index
      %swap3A_227 = tpu.vector_load %arg9[%swap3A_226] {strides = array<i32>} : memref<16384xf32, #tpu.memory_space<vmem>>, vector<16xf32>,
      %swap3A_228 = vector.shape_cast %swap3A_227 : vector<16xf32> to vector<16xf32>
      %swap3A_229 = vector.shape_cast %get3A_220 : vector<16xf32> to vector<16xf32>
      tpu.vector_store %arg9[%swap3A_226], %swap3A_229 {strides = array<i32>} : memref<16384xf32, #tpu.memory_space<vmem>>, vector<16xf32>,
      %mul3A_230 = arith.constant 16 : i32
      %mul3A_231 = arith.muli %while3A_53, %mul3A_230 : i32
      %add3A_232 = arith.constant 6 : i32
      %add3A_233 = arith.addi %mul3A_231, %add3A_232 : i32
      %mul3A_234 = arith.constant 16 : i32
      %mul3A_235 = arith.muli %add3A_233, %mul3A_234 : i32
      %get3A_236 = arith.index_cast %mul3A_235 : i32 to index
      %get3A_237 = tpu.vector_load %arg8[%get3A_236] {strides = array<i32>} : memref<16384xf32, #tpu.memory_space<vmem>>, vector<16xf32>,
      %get3A_238 = vector.shape_cast %get3A_237 : vector<16xf32> to vector<16xf32>
      %slice3A_239 = vector.extract_strided_slice %sub3A_121 {offsets = [6], sizes = [1], strides = [1]} : vector<16xi32> to vector<1xi32>
      %squeeze3A_240 = vector.extract %slice3A_239[0] : i32 from vector<1xi32>
      %add3A_241 = arith.addi %while3A_54, %squeeze3A_240 : i32
      %mul3A_242 = arith.constant 16 : i32
      %mul3A_243 = arith.muli %add3A_241, %mul3A_242 : i32
      %swap3A_244 = arith.index_cast %mul3A_243 : i32 to index
      %swap3A_245 = tpu.vector_load %arg9[%swap3A_244] {strides = array<i32>} : memref<16384xf32, #tpu.memory_space<vmem>>, vector<16xf32>,
      %swap3A_246 = vector.shape_cast %swap3A_245 : vector<16xf32> to vector<16xf32>
      %swap3A_247 = vector.shape_cast %get3A_238 : vector<16xf32> to vector<16xf32>
      tpu.vector_store %arg9[%swap3A_244], %swap3A_247 {strides = array<i32>} : memref<16384xf32, #tpu.memory_space<vmem>>, vector<16xf32>,
      %mul3A_248 = arith.constant 16 : i32
      %mul3A_249 = arith.muli %while3A_53, %mul3A_248 : i32
      %add3A_250 = arith.constant 7 : i32
      %add3A_251 = arith.addi %mul3A_249, %add3A_250 : i32
      %mul3A_252 = arith.constant 16 : i32
      %mul3A_253 = arith.muli %add3A_251, %mul3A_252 : i32
      %get3A_254 = arith.index_cast %mul3A_253 : i32 to index
      %get3A_255 = tpu.vector_load %arg8[%get3A_254] {strides = array<i32>} : memref<16384xf32, #tpu.memory_space<vmem>>, vector<16xf32>,
      %get3A_256 = vector.shape_cast %get3A_255 : vector<16xf32> to vector<16xf32>
      %slice3A_257 = vector.extract_strided_slice %sub3A_121 {offsets = [7], sizes = [1], strides = [1]} : vector<16xi32> to vector<1xi32>
      %squeeze3A_258 = vector.extract %slice3A_257[0] : i32 from vector<1xi32>
      %add3A_259 = arith.addi %while3A_54, %squeeze3A_258 : i32
      %mul3A_260 = arith.constant 16 : i32
      %mul3A_261 = arith.muli %add3A_259, %mul3A_260 : i32
      %swap3A_262 = arith.index_cast %mul3A_261 : i32 to index
      %swap3A_263 = tpu.vector_load %arg9[%swap3A_262] {strides = array<i32>} : memref<16384xf32, #tpu.memory_space<vmem>>, vector<16xf32>,
      %swap3A_264 = vector.shape_cast %swap3A_263 : vector<16xf32> to vector<16xf32>
      %swap3A_265 = vector.shape_cast %get3A_256 : vector<16xf32> to vector<16xf32>
      tpu.vector_store %arg9[%swap3A_262], %swap3A_265 {strides = array<i32>} : memref<16384xf32, #tpu.memory_space<vmem>>, vector<16xf32>,
      %mul3A_266 = arith.constant 16 : i32
      %mul3A_267 = arith.muli %while3A_53, %mul3A_266 : i32
      %add3A_268 = arith.constant 8 : i32
      %add3A_269 = arith.addi %mul3A_267, %add3A_268 : i32
      %mul3A_270 = arith.constant 16 : i32
      %mul3A_271 = arith.muli %add3A_269, %mul3A_270 : i32
      %get3A_272 = arith.index_cast %mul3A_271 : i32 to index
      %get3A_273 = tpu.vector_load %arg8[%get3A_272] {strides = array<i32>} : memref<16384xf32, #tpu.memory_space<vmem>>, vector<16xf32>,
      %get3A_274 = vector.shape_cast %get3A_273 : vector<16xf32> to vector<16xf32>
      %slice3A_275 = vector.extract_strided_slice %sub3A_121 {offsets = [8], sizes = [1], strides = [1]} : vector<16xi32> to vector<1xi32>
      %squeeze3A_276 = vector.extract %slice3A_275[0] : i32 from vector<1xi32>
      %add3A_277 = arith.addi %while3A_54, %squeeze3A_276 : i32
      %mul3A_278 = arith.constant 16 : i32
      %mul3A_279 = arith.muli %add3A_277, %mul3A_278 : i32
      %swap3A_280 = arith.index_cast %mul3A_279 : i32 to index
      %swap3A_281 = tpu.vector_load %arg9[%swap3A_280] {strides = array<i32>} : memref<16384xf32, #tpu.memory_space<vmem>>, vector<16xf32>,
      %swap3A_282 = vector.shape_cast %swap3A_281 : vector<16xf32> to vector<16xf32>
      %swap3A_283 = vector.shape_cast %get3A_274 : vector<16xf32> to vector<16xf32>
      tpu.vector_store %arg9[%swap3A_280], %swap3A_283 {strides = array<i32>} : memref<16384xf32, #tpu.memory_space<vmem>>, vector<16xf32>,
      %mul3A_284 = arith.constant 16 : i32
      %mul3A_285 = arith.muli %while3A_53, %mul3A_284 : i32
      %add3A_286 = arith.constant 9 : i32
      %add3A_287 = arith.addi %mul3A_285, %add3A_286 : i32
      %mul3A_288 = arith.constant 16 : i32
      %mul3A_289 = arith.muli %add3A_287, %mul3A_288 : i32
      %get3A_290 = arith.index_cast %mul3A_289 : i32 to index
      %get3A_291 = tpu.vector_load %arg8[%get3A_290] {strides = array<i32>} : memref<16384xf32, #tpu.memory_space<vmem>>, vector<16xf32>,
      %get3A_292 = vector.shape_cast %get3A_291 : vector<16xf32> to vector<16xf32>
      %slice3A_293 = vector.extract_strided_slice %sub3A_121 {offsets = [9], sizes = [1], strides = [1]} : vector<16xi32> to vector<1xi32>
      %squeeze3A_294 = vector.extract %slice3A_293[0] : i32 from vector<1xi32>
      %add3A_295 = arith.addi %while3A_54, %squeeze3A_294 : i32
      %mul3A_296 = arith.constant 16 : i32
      %mul3A_297 = arith.muli %add3A_295, %mul3A_296 : i32
      %swap3A_298 = arith.index_cast %mul3A_297 : i32 to index
      %swap3A_299 = tpu.vector_load %arg9[%swap3A_298] {strides = array<i32>} : memref<16384xf32, #tpu.memory_space<vmem>>, vector<16xf32>,
      %swap3A_300 = vector.shape_cast %swap3A_299 : vector<16xf32> to vector<16xf32>
      %swap3A_301 = vector.shape_cast %get3A_292 : vector<16xf32> to vector<16xf32>
      tpu.vector_store %arg9[%swap3A_298], %swap3A_301 {strides = array<i32>} : memref<16384xf32, #tpu.memory_space<vmem>>, vector<16xf32>,
      %mul3A_302 = arith.constant 16 : i32
      %mul3A_303 = arith.muli %while3A_53, %mul3A_302 : i32
      %add3A_304 = arith.constant 10 : i32
      %add3A_305 = arith.addi %mul3A_303, %add3A_304 : i32
      %mul3A_306 = arith.constant 16 : i32
      %mul3A_307 = arith.muli %add3A_305, %mul3A_306 : i32
      %get3A_308 = arith.index_cast %mul3A_307 : i32 to index
      %get3A_309 = tpu.vector_load %arg8[%get3A_308] {strides = array<i32>} : memref<16384xf32, #tpu.memory_space<vmem>>, vector<16xf32>,
      %get3A_310 = vector.shape_cast %get3A_309 : vector<16xf32> to vector<16xf32>
      %slice3A_311 = vector.extract_strided_slice %sub3A_121 {offsets = [10], sizes = [1], strides = [1]} : vector<16xi32> to vector<1xi32>
      %squeeze3A_312 = vector.extract %slice3A_311[0] : i32 from vector<1xi32>
      %add3A_313 = arith.addi %while3A_54, %squeeze3A_312 : i32
      %mul3A_314 = arith.constant 16 : i32
      %mul3A_315 = arith.muli %add3A_313, %mul3A_314 : i32
      %swap3A_316 = arith.index_cast %mul3A_315 : i32 to index
      %swap3A_317 = tpu.vector_load %arg9[%swap3A_316] {strides = array<i32>} : memref<16384xf32, #tpu.memory_space<vmem>>, vector<16xf32>,
      %swap3A_318 = vector.shape_cast %swap3A_317 : vector<16xf32> to vector<16xf32>
      %swap3A_319 = vector.shape_cast %get3A_310 : vector<16xf32> to vector<16xf32>
      tpu.vector_store %arg9[%swap3A_316], %swap3A_319 {strides = array<i32>} : memref<16384xf32, #tpu.memory_space<vmem>>, vector<16xf32>,
      %mul3A_320 = arith.constant 16 : i32
      %mul3A_321 = arith.muli %while3A_53, %mul3A_320 : i32
      %add3A_322 = arith.constant 11 : i32
      %add3A_323 = arith.addi %mul3A_321, %add3A_322 : i32
      %mul3A_324 = arith.constant 16 : i32
      %mul3A_325 = arith.muli %add3A_323, %mul3A_324 : i32
      %get3A_326 = arith.index_cast %mul3A_325 : i32 to index
      %get3A_327 = tpu.vector_load %arg8[%get3A_326] {strides = array<i32>} : memref<16384xf32, #tpu.memory_space<vmem>>, vector<16xf32>,
      %get3A_328 = vector.shape_cast %get3A_327 : vector<16xf32> to vector<16xf32>
      %slice3A_329 = vector.extract_strided_slice %sub3A_121 {offsets = [11], sizes = [1], strides = [1]} : vector<16xi32> to vector<1xi32>
      %squeeze3A_330 = vector.extract %slice3A_329[0] : i32 from vector<1xi32>
      %add3A_331 = arith.addi %while3A_54, %squeeze3A_330 : i32
      %mul3A_332 = arith.constant 16 : i32
      %mul3A_333 = arith.muli %add3A_331, %mul3A_332 : i32
      %swap3A_334 = arith.index_cast %mul3A_333 : i32 to index
      %swap3A_335 = tpu.vector_load %arg9[%swap3A_334] {strides = array<i32>} : memref<16384xf32, #tpu.memory_space<vmem>>, vector<16xf32>,
      %swap3A_336 = vector.shape_cast %swap3A_335 : vector<16xf32> to vector<16xf32>
      %swap3A_337 = vector.shape_cast %get3A_328 : vector<16xf32> to vector<16xf32>
      tpu.vector_store %arg9[%swap3A_334], %swap3A_337 {strides = array<i32>} : memref<16384xf32, #tpu.memory_space<vmem>>, vector<16xf32>,
      %mul3A_338 = arith.constant 16 : i32
      %mul3A_339 = arith.muli %while3A_53, %mul3A_338 : i32
      %add3A_340 = arith.constant 12 : i32
      %add3A_341 = arith.addi %mul3A_339, %add3A_340 : i32
      %mul3A_342 = arith.constant 16 : i32
      %mul3A_343 = arith.muli %add3A_341, %mul3A_342 : i32
      %get3A_344 = arith.index_cast %mul3A_343 : i32 to index
      %get3A_345 = tpu.vector_load %arg8[%get3A_344] {strides = array<i32>} : memref<16384xf32, #tpu.memory_space<vmem>>, vector<16xf32>,
      %get3A_346 = vector.shape_cast %get3A_345 : vector<16xf32> to vector<16xf32>
      %slice3A_347 = vector.extract_strided_slice %sub3A_121 {offsets = [12], sizes = [1], strides = [1]} : vector<16xi32> to vector<1xi32>
      %squeeze3A_348 = vector.extract %slice3A_347[0] : i32 from vector<1xi32>
      %add3A_349 = arith.addi %while3A_54, %squeeze3A_348 : i32
      %mul3A_350 = arith.constant 16 : i32
      %mul3A_351 = arith.muli %add3A_349, %mul3A_350 : i32
      %swap3A_352 = arith.index_cast %mul3A_351 : i32 to index
      %swap3A_353 = tpu.vector_load %arg9[%swap3A_352] {strides = array<i32>} : memref<16384xf32, #tpu.memory_space<vmem>>, vector<16xf32>,
      %swap3A_354 = vector.shape_cast %swap3A_353 : vector<16xf32> to vector<16xf32>
      %swap3A_355 = vector.shape_cast %get3A_346 : vector<16xf32> to vector<16xf32>
      tpu.vector_store %arg9[%swap3A_352], %swap3A_355 {strides = array<i32>} : memref<16384xf32, #tpu.memory_space<vmem>>, vector<16xf32>,
      %mul3A_356 = arith.constant 16 : i32
      %mul3A_357 = arith.muli %while3A_53, %mul3A_356 : i32
      %add3A_358 = arith.constant 13 : i32
      %add3A_359 = arith.addi %mul3A_357, %add3A_358 : i32
      %mul3A_360 = arith.constant 16 : i32
      %mul3A_361 = arith.muli %add3A_359, %mul3A_360 : i32
      %get3A_362 = arith.index_cast %mul3A_361 : i32 to index
      %get3A_363 = tpu.vector_load %arg8[%get3A_362] {strides = array<i32>} : memref<16384xf32, #tpu.memory_space<vmem>>, vector<16xf32>,
      %get3A_364 = vector.shape_cast %get3A_363 : vector<16xf32> to vector<16xf32>
      %slice3A_365 = vector.extract_strided_slice %sub3A_121 {offsets = [13], sizes = [1], strides = [1]} : vector<16xi32> to vector<1xi32>
      %squeeze3A_366 = vector.extract %slice3A_365[0] : i32 from vector<1xi32>
      %add3A_367 = arith.addi %while3A_54, %squeeze3A_366 : i32
      %mul3A_368 = arith.constant 16 : i32
      %mul3A_369 = arith.muli %add3A_367, %mul3A_368 : i32
      %swap3A_370 = arith.index_cast %mul3A_369 : i32 to index
      %swap3A_371 = tpu.vector_load %arg9[%swap3A_370] {strides = array<i32>} : memref<16384xf32, #tpu.memory_space<vmem>>, vector<16xf32>,
      %swap3A_372 = vector.shape_cast %swap3A_371 : vector<16xf32> to vector<16xf32>
      %swap3A_373 = vector.shape_cast %get3A_364 : vector<16xf32> to vector<16xf32>
      tpu.vector_store %arg9[%swap3A_370], %swap3A_373 {strides = array<i32>} : memref<16384xf32, #tpu.memory_space<vmem>>, vector<16xf32>,
      %mul3A_374 = arith.constant 16 : i32
      %mul3A_375 = arith.muli %while3A_53, %mul3A_374 : i32
      %add3A_376 = arith.constant 14 : i32
      %add3A_377 = arith.addi %mul3A_375, %add3A_376 : i32
      %mul3A_378 = arith.constant 16 : i32
      %mul3A_379 = arith.muli %add3A_377, %mul3A_378 : i32
      %get3A_380 = arith.index_cast %mul3A_379 : i32 to index
      %get3A_381 = tpu.vector_load %arg8[%get3A_380] {strides = array<i32>} : memref<16384xf32, #tpu.memory_space<vmem>>, vector<16xf32>,
      %get3A_382 = vector.shape_cast %get3A_381 : vector<16xf32> to vector<16xf32>
      %slice3A_383 = vector.extract_strided_slice %sub3A_121 {offsets = [14], sizes = [1], strides = [1]} : vector<16xi32> to vector<1xi32>
      %squeeze3A_384 = vector.extract %slice3A_383[0] : i32 from vector<1xi32>
      %add3A_385 = arith.addi %while3A_54, %squeeze3A_384 : i32
      %mul3A_386 = arith.constant 16 : i32
      %mul3A_387 = arith.muli %add3A_385, %mul3A_386 : i32
      %swap3A_388 = arith.index_cast %mul3A_387 : i32 to index
      %swap3A_389 = tpu.vector_load %arg9[%swap3A_388] {strides = array<i32>} : memref<16384xf32, #tpu.memory_space<vmem>>, vector<16xf32>,
      %swap3A_390 = vector.shape_cast %swap3A_389 : vector<16xf32> to vector<16xf32>
      %swap3A_391 = vector.shape_cast %get3A_382 : vector<16xf32> to vector<16xf32>
      tpu.vector_store %arg9[%swap3A_388], %swap3A_391 {strides = array<i32>} : memref<16384xf32, #tpu.memory_space<vmem>>, vector<16xf32>,
      %mul3A_392 = arith.constant 16 : i32
      %mul3A_393 = arith.muli %while3A_53, %mul3A_392 : i32
      %add3A_394 = arith.constant 15 : i32
      %add3A_395 = arith.addi %mul3A_393, %add3A_394 : i32
      %mul3A_396 = arith.constant 16 : i32
      %mul3A_397 = arith.muli %add3A_395, %mul3A_396 : i32
      %get3A_398 = arith.index_cast %mul3A_397 : i32 to index
      %get3A_399 = tpu.vector_load %arg8[%get3A_398] {strides = array<i32>} : memref<16384xf32, #tpu.memory_space<vmem>>, vector<16xf32>,
      %get3A_400 = vector.shape_cast %get3A_399 : vector<16xf32> to vector<16xf32>
      %slice3A_401 = vector.extract_strided_slice %sub3A_121 {offsets = [15], sizes = [1], strides = [1]} : vector<16xi32> to vector<1xi32>
      %squeeze3A_402 = vector.extract %slice3A_401[0] : i32 from vector<1xi32>
      %add3A_403 = arith.addi %while3A_54, %squeeze3A_402 : i32
      %mul3A_404 = arith.constant 16 : i32
      %mul3A_405 = arith.muli %add3A_403, %mul3A_404 : i32
      %swap3A_406 = arith.index_cast %mul3A_405 : i32 to index
      %swap3A_407 = tpu.vector_load %arg9[%swap3A_406] {strides = array<i32>} : memref<16384xf32, #tpu.memory_space<vmem>>, vector<16xf32>,
      %swap3A_408 = vector.shape_cast %swap3A_407 : vector<16xf32> to vector<16xf32>
      %swap3A_409 = vector.shape_cast %get3A_400 : vector<16xf32> to vector<16xf32>
      tpu.vector_store %arg9[%swap3A_406], %swap3A_409 {strides = array<i32>} : memref<16384xf32, #tpu.memory_space<vmem>>, vector<16xf32>,
      %slice3A_410 = vector.extract_strided_slice %add3A_120 {offsets = [15], sizes = [1], strides = [1]} : vector<16xi32> to vector<1xi32>
      %squeeze3A_411 = vector.extract %slice3A_410[0] : i32 from vector<1xi32>
      %add3A_412 = arith.addi %while3A_54, %squeeze3A_411 : i32
      scf.yield %add3A_412 : i32
    }
    %while3A_32 = arith.constant 1 : i32
    %while3A_33 = scf.for %while3A_53 = %while3A_29 to %while3A_25 step %while3A_32 iter_args(%while3A_54 = %while3A_31) -> (i32)  : i32 {
      %mul3A_55 = arith.constant 16 : i32
      %mul3A_56 = arith.muli %while3A_53, %mul3A_55 : i32
      %get3A_57 = arith.index_cast %mul3A_56 : i32 to index
      %get3A_58 = tpu.vector_load %arg7[%get3A_57] {strides = array<i32>} : memref<1024xi32, #tpu.memory_space<vmem>>, vector<16xi32>,
      %get3A_59 = vector.shape_cast %get3A_58 : vector<16xi32> to vector<16xi32>
      %sub3A_60 = arith.constant 1 : i32
      %sub3A_61 = vector.broadcast %sub3A_60 : i32 to vector<16xi32>
      %sub3A_62 = arith.subi %iota3A, %sub3A_61 : vector<16xi32>
      %max3A = arith.constant 0 : i32
      %max3A_63 = vector.broadcast %max3A : i32 to vector<16xi32>
      %max3A_64 = arith.maxsi %sub3A_62, %max3A_63 : vector<16xi32>
      %broadcast_in_dim3A_65 = vector.shape_cast %max3A_64 : vector<16xi32> to vector<16x1xi32>
      %gather3A = vector.shape_cast %broadcast_in_dim3A_65 : vector<16x1xi32> to vector<16xi32>
      %gather3A_66 = tpu.dynamic_gather %get3A_59[%gather3A] in [0] : vector<16xi32>, vector<16xi32> -> vector<16xi32>
      %ge3A = arith.constant 1 : i32
      %ge3A_67 = vector.broadcast %ge3A : i32 to vector<16xi32>
      %ge3A_68 = arith.cmpi sge, %iota3A, %ge3A_67 : vector<16xi32>
      %jit3A_69 = arith.constant 0 : i32
      %broadcast_in_dim3A_70 = vector.broadcast %jit3A_69 : i32 to vector<16xi32>
      %select_n3A_71 = arith.select %ge3A_68, %gather3A_66, %broadcast_in_dim3A_70 : vector<16xi1>, vector<16xi32>
      %add3A_72 = arith.addi %get3A_59, %select_n3A_71 : vector<16xi32>
      %sub3A_73 = arith.constant 2 : i32
      %sub3A_74 = vector.broadcast %sub3A_73 : i32 to vector<16xi32>
      %sub3A_75 = arith.subi %iota3A, %sub3A_74 : vector<16xi32>
      %max3A_76 = arith.constant 0 : i32
      %max3A_77 = vector.broadcast %max3A_76 : i32 to vector<16xi32>
      %max3A_78 = arith.maxsi %sub3A_75, %max3A_77 : vector<16xi32>
      %broadcast_in_dim3A_79 = vector.shape_cast %max3A_78 : vector<16xi32> to vector<16x1xi32>
      %gather3A_80 = vector.shape_cast %broadcast_in_dim3A_79 : vector<16x1xi32> to vector<16xi32>
      %gather3A_81 = tpu.dynamic_gather %add3A_72[%gather3A_80] in [0] : vector<16xi32>, vector<16xi32> -> vector<16xi32>
      %ge3A_82 = arith.constant 2 : i32
      %ge3A_83 = vector.broadcast %ge3A_82 : i32 to vector<16xi32>
      %ge3A_84 = arith.cmpi sge, %iota3A, %ge3A_83 : vector<16xi32>
      %jit3A_85 = arith.constant 0 : i32
      %broadcast_in_dim3A_86 = vector.broadcast %jit3A_85 : i32 to vector<16xi32>
      %select_n3A_87 = arith.select %ge3A_84, %gather3A_81, %broadcast_in_dim3A_86 : vector<16xi1>, vector<16xi32>
      %add3A_88 = arith.addi %add3A_72, %select_n3A_87 : vector<16xi32>
      %sub3A_89 = arith.constant 4 : i32
      %sub3A_90 = vector.broadcast %sub3A_89 : i32 to vector<16xi32>
      %sub3A_91 = arith.subi %iota3A, %sub3A_90 : vector<16xi32>
      %max3A_92 = arith.constant 0 : i32
      %max3A_93 = vector.broadcast %max3A_92 : i32 to vector<16xi32>
      %max3A_94 = arith.maxsi %sub3A_91, %max3A_93 : vector<16xi32>
      %broadcast_in_dim3A_95 = vector.shape_cast %max3A_94 : vector<16xi32> to vector<16x1xi32>
      %gather3A_96 = vector.shape_cast %broadcast_in_dim3A_95 : vector<16x1xi32> to vector<16xi32>
      %gather3A_97 = tpu.dynamic_gather %add3A_88[%gather3A_96] in [0] : vector<16xi32>, vector<16xi32> -> vector<16xi32>
      %ge3A_98 = arith.constant 4 : i32
      %ge3A_99 = vector.broadcast %ge3A_98 : i32 to vector<16xi32>
      %ge3A_100 = arith.cmpi sge, %iota3A, %ge3A_99 : vector<16xi32>
      %jit3A_101 = arith.constant 0 : i32
      %broadcast_in_dim3A_102 = vector.broadcast %jit3A_101 : i32 to vector<16xi32>
      %select_n3A_103 = arith.select %ge3A_100, %gather3A_97, %broadcast_in_dim3A_102 : vector<16xi1>, vector<16xi32>
      %add3A_104 = arith.addi %add3A_88, %select_n3A_103 : vector<16xi32>
      %sub3A_105 = arith.constant 8 : i32
      %sub3A_106 = vector.broadcast %sub3A_105 : i32 to vector<16xi32>
      %sub3A_107 = arith.subi %iota3A, %sub3A_106 : vector<16xi32>
      %max3A_108 = arith.constant 0 : i32
      %max3A_109 = vector.broadcast %max3A_108 : i32 to vector<16xi32>
      %max3A_110 = arith.maxsi %sub3A_107, %max3A_109 : vector<16xi32>
      %broadcast_in_dim3A_111 = vector.shape_cast %max3A_110 : vector<16xi32> to vector<16x1xi32>
      %gather3A_112 = vector.shape_cast %broadcast_in_dim3A_111 : vector<16x1xi32> to vector<16xi32>
      %gather3A_113 = tpu.dynamic_gather %add3A_104[%gather3A_112] in [0] : vector<16xi32>, vector<16xi32> -> vector<16xi32>
      %ge3A_114 = arith.constant 8 : i32
      %ge3A_115 = vector.broadcast %ge3A_114 : i32 to vector<16xi32>
      %ge3A_116 = arith.cmpi sge, %iota3A, %ge3A_115 : vector<16xi32>
      %jit3A_117 = arith.constant 0 : i32
      %broadcast_in_dim3A_118 = vector.broadcast %jit3A_117 : i32 to vector<16xi32>
      %select_n3A_119 = arith.select %ge3A_116, %gather3A_113, %broadcast_in_dim3A_118 : vector<16xi1>, vector<16xi32>
      %add3A_120 = arith.addi %add3A_104, %select_n3A_119 : vector<16xi32>
      %sub3A_121 = arith.subi %add3A_120, %get3A_59 : vector<16xi32>
      %mul3A_122 = arith.constant 16 : i32
      %mul3A_123 = arith.muli %while3A_53, %mul3A_122 : i32
      %add3A_124 = arith.constant 0 : i32
      %add3A_125 = arith.addi %mul3A_123, %add3A_124 : i32
      %mul3A_126 = arith.constant 16 : i32
      %mul3A_127 = arith.muli %add3A_125, %mul3A_126 : i32
      %get3A_128 = arith.index_cast %mul3A_127 : i32 to index
      %get3A_129 = tpu.vector_load %arg8[%get3A_128] {strides = array<i32>} : memref<16384xf32, #tpu.memory_space<vmem>>, vector<16xf32>,
      %get3A_130 = vector.shape_cast %get3A_129 : vector<16xf32> to vector<16xf32>
      %slice3A_131 = vector.extract_strided_slice %sub3A_121 {offsets = [0], sizes = [1], strides = [1]} : vector<16xi32> to vector<1xi32>
      %squeeze3A_132 = vector.extract %slice3A_131[0] : i32 from vector<1xi32>
      %add3A_133 = arith.addi %while3A_54, %squeeze3A_132 : i32
      %mul3A_134 = arith.constant 16 : i32
      %mul3A_135 = arith.muli %add3A_133, %mul3A_134 : i32
      %swap3A_136 = arith.index_cast %mul3A_135 : i32 to index
      %swap3A_137 = tpu.vector_load %arg9[%swap3A_136] {strides = array<i32>} : memref<16384xf32, #tpu.memory_space<vmem>>, vector<16xf32>,
      %swap3A_138 = vector.shape_cast %swap3A_137 : vector<16xf32> to vector<16xf32>
      %swap3A_139 = vector.shape_cast %get3A_130 : vector<16xf32> to vector<16xf32>
      tpu.vector_store %arg9[%swap3A_136], %swap3A_139 {strides = array<i32>} : memref<16384xf32, #tpu.memory_space<vmem>>, vector<16xf32>,
      %mul3A_140 = arith.constant 16 : i32
      %mul3A_141 = arith.muli %while3A_53, %mul3A_140 : i32
      %add3A_142 = arith.constant 1 : i32
      %add3A_143 = arith.addi %mul3A_141, %add3A_142 : i32
      %mul3A_144 = arith.constant 16 : i32
      %mul3A_145 = arith.muli %add3A_143, %mul3A_144 : i32
      %get3A_146 = arith.index_cast %mul3A_145 : i32 to index
      %get3A_147 = tpu.vector_load %arg8[%get3A_146] {strides = array<i32>} : memref<16384xf32, #tpu.memory_space<vmem>>, vector<16xf32>,
      %get3A_148 = vector.shape_cast %get3A_147 : vector<16xf32> to vector<16xf32>
      %slice3A_149 = vector.extract_strided_slice %sub3A_121 {offsets = [1], sizes = [1], strides = [1]} : vector<16xi32> to vector<1xi32>
      %squeeze3A_150 = vector.extract %slice3A_149[0] : i32 from vector<1xi32>
      %add3A_151 = arith.addi %while3A_54, %squeeze3A_150 : i32
      %mul3A_152 = arith.constant 16 : i32
      %mul3A_153 = arith.muli %add3A_151, %mul3A_152 : i32
      %swap3A_154 = arith.index_cast %mul3A_153 : i32 to index
      %swap3A_155 = tpu.vector_load %arg9[%swap3A_154] {strides = array<i32>} : memref<16384xf32, #tpu.memory_space<vmem>>, vector<16xf32>,
      %swap3A_156 = vector.shape_cast %swap3A_155 : vector<16xf32> to vector<16xf32>
      %swap3A_157 = vector.shape_cast %get3A_148 : vector<16xf32> to vector<16xf32>
      tpu.vector_store %arg9[%swap3A_154], %swap3A_157 {strides = array<i32>} : memref<16384xf32, #tpu.memory_space<vmem>>, vector<16xf32>,
      %mul3A_158 = arith.constant 16 : i32
      %mul3A_159 = arith.muli %while3A_53, %mul3A_158 : i32
      %add3A_160 = arith.constant 2 : i32
      %add3A_161 = arith.addi %mul3A_159, %add3A_160 : i32
      %mul3A_162 = arith.constant 16 : i32
      %mul3A_163 = arith.muli %add3A_161, %mul3A_162 : i32
      %get3A_164 = arith.index_cast %mul3A_163 : i32 to index
      %get3A_165 = tpu.vector_load %arg8[%get3A_164] {strides = array<i32>} : memref<16384xf32, #tpu.memory_space<vmem>>, vector<16xf32>,
      %get3A_166 = vector.shape_cast %get3A_165 : vector<16xf32> to vector<16xf32>
      %slice3A_167 = vector.extract_strided_slice %sub3A_121 {offsets = [2], sizes = [1], strides = [1]} : vector<16xi32> to vector<1xi32>
      %squeeze3A_168 = vector.extract %slice3A_167[0] : i32 from vector<1xi32>
      %add3A_169 = arith.addi %while3A_54, %squeeze3A_168 : i32
      %mul3A_170 = arith.constant 16 : i32
      %mul3A_171 = arith.muli %add3A_169, %mul3A_170 : i32
      %swap3A_172 = arith.index_cast %mul3A_171 : i32 to index
      %swap3A_173 = tpu.vector_load %arg9[%swap3A_172] {strides = array<i32>} : memref<16384xf32, #tpu.memory_space<vmem>>, vector<16xf32>,
      %swap3A_174 = vector.shape_cast %swap3A_173 : vector<16xf32> to vector<16xf32>
      %swap3A_175 = vector.shape_cast %get3A_166 : vector<16xf32> to vector<16xf32>
      tpu.vector_store %arg9[%swap3A_172], %swap3A_175 {strides = array<i32>} : memref<16384xf32, #tpu.memory_space<vmem>>, vector<16xf32>,
      %mul3A_176 = arith.constant 16 : i32
      %mul3A_177 = arith.muli %while3A_53, %mul3A_176 : i32
      %add3A_178 = arith.constant 3 : i32
      %add3A_179 = arith.addi %mul3A_177, %add3A_178 : i32
      %mul3A_180 = arith.constant 16 : i32
      %mul3A_181 = arith.muli %add3A_179, %mul3A_180 : i32
      %get3A_182 = arith.index_cast %mul3A_181 : i32 to index
      %get3A_183 = tpu.vector_load %arg8[%get3A_182] {strides = array<i32>} : memref<16384xf32, #tpu.memory_space<vmem>>, vector<16xf32>,
      %get3A_184 = vector.shape_cast %get3A_183 : vector<16xf32> to vector<16xf32>
      %slice3A_185 = vector.extract_strided_slice %sub3A_121 {offsets = [3], sizes = [1], strides = [1]} : vector<16xi32> to vector<1xi32>
      %squeeze3A_186 = vector.extract %slice3A_185[0] : i32 from vector<1xi32>
      %add3A_187 = arith.addi %while3A_54, %squeeze3A_186 : i32
      %mul3A_188 = arith.constant 16 : i32
      %mul3A_189 = arith.muli %add3A_187, %mul3A_188 : i32
      %swap3A_190 = arith.index_cast %mul3A_189 : i32 to index
      %swap3A_191 = tpu.vector_load %arg9[%swap3A_190] {strides = array<i32>} : memref<16384xf32, #tpu.memory_space<vmem>>, vector<16xf32>,
      %swap3A_192 = vector.shape_cast %swap3A_191 : vector<16xf32> to vector<16xf32>
      %swap3A_193 = vector.shape_cast %get3A_184 : vector<16xf32> to vector<16xf32>
      tpu.vector_store %arg9[%swap3A_190], %swap3A_193 {strides = array<i32>} : memref<16384xf32, #tpu.memory_space<vmem>>, vector<16xf32>,
      %mul3A_194 = arith.constant 16 : i32
      %mul3A_195 = arith.muli %while3A_53, %mul3A_194 : i32
      %add3A_196 = arith.constant 4 : i32
      %add3A_197 = arith.addi %mul3A_195, %add3A_196 : i32
      %mul3A_198 = arith.constant 16 : i32
      %mul3A_199 = arith.muli %add3A_197, %mul3A_198 : i32
      %get3A_200 = arith.index_cast %mul3A_199 : i32 to index
      %get3A_201 = tpu.vector_load %arg8[%get3A_200] {strides = array<i32>} : memref<16384xf32, #tpu.memory_space<vmem>>, vector<16xf32>,
      %get3A_202 = vector.shape_cast %get3A_201 : vector<16xf32> to vector<16xf32>
      %slice3A_203 = vector.extract_strided_slice %sub3A_121 {offsets = [4], sizes = [1], strides = [1]} : vector<16xi32> to vector<1xi32>
      %squeeze3A_204 = vector.extract %slice3A_203[0] : i32 from vector<1xi32>
      %add3A_205 = arith.addi %while3A_54, %squeeze3A_204 : i32
      %mul3A_206 = arith.constant 16 : i32
      %mul3A_207 = arith.muli %add3A_205, %mul3A_206 : i32
      %swap3A_208 = arith.index_cast %mul3A_207 : i32 to index
      %swap3A_209 = tpu.vector_load %arg9[%swap3A_208] {strides = array<i32>} : memref<16384xf32, #tpu.memory_space<vmem>>, vector<16xf32>,
      %swap3A_210 = vector.shape_cast %swap3A_209 : vector<16xf32> to vector<16xf32>
      %swap3A_211 = vector.shape_cast %get3A_202 : vector<16xf32> to vector<16xf32>
      tpu.vector_store %arg9[%swap3A_208], %swap3A_211 {strides = array<i32>} : memref<16384xf32, #tpu.memory_space<vmem>>, vector<16xf32>,
      %mul3A_212 = arith.constant 16 : i32
      %mul3A_213 = arith.muli %while3A_53, %mul3A_212 : i32
      %add3A_214 = arith.constant 5 : i32
      %add3A_215 = arith.addi %mul3A_213, %add3A_214 : i32
      %mul3A_216 = arith.constant 16 : i32
      %mul3A_217 = arith.muli %add3A_215, %mul3A_216 : i32
      %get3A_218 = arith.index_cast %mul3A_217 : i32 to index
      %get3A_219 = tpu.vector_load %arg8[%get3A_218] {strides = array<i32>} : memref<16384xf32, #tpu.memory_space<vmem>>, vector<16xf32>,
      %get3A_220 = vector.shape_cast %get3A_219 : vector<16xf32> to vector<16xf32>
      %slice3A_221 = vector.extract_strided_slice %sub3A_121 {offsets = [5], sizes = [1], strides = [1]} : vector<16xi32> to vector<1xi32>
      %squeeze3A_222 = vector.extract %slice3A_221[0] : i32 from vector<1xi32>
      %add3A_223 = arith.addi %while3A_54, %squeeze3A_222 : i32
      %mul3A_224 = arith.constant 16 : i32
      %mul3A_225 = arith.muli %add3A_223, %mul3A_224 : i32
      %swap3A_226 = arith.index_cast %mul3A_225 : i32 to index
      %swap3A_227 = tpu.vector_load %arg9[%swap3A_226] {strides = array<i32>} : memref<16384xf32, #tpu.memory_space<vmem>>, vector<16xf32>,
      %swap3A_228 = vector.shape_cast %swap3A_227 : vector<16xf32> to vector<16xf32>
      %swap3A_229 = vector.shape_cast %get3A_220 : vector<16xf32> to vector<16xf32>
      tpu.vector_store %arg9[%swap3A_226], %swap3A_229 {strides = array<i32>} : memref<16384xf32, #tpu.memory_space<vmem>>, vector<16xf32>,
      %mul3A_230 = arith.constant 16 : i32
      %mul3A_231 = arith.muli %while3A_53, %mul3A_230 : i32
      %add3A_232 = arith.constant 6 : i32
      %add3A_233 = arith.addi %mul3A_231, %add3A_232 : i32
      %mul3A_234 = arith.constant 16 : i32
      %mul3A_235 = arith.muli %add3A_233, %mul3A_234 : i32
      %get3A_236 = arith.index_cast %mul3A_235 : i32 to index
      %get3A_237 = tpu.vector_load %arg8[%get3A_236] {strides = array<i32>} : memref<16384xf32, #tpu.memory_space<vmem>>, vector<16xf32>,
      %get3A_238 = vector.shape_cast %get3A_237 : vector<16xf32> to vector<16xf32>
      %slice3A_239 = vector.extract_strided_slice %sub3A_121 {offsets = [6], sizes = [1], strides = [1]} : vector<16xi32> to vector<1xi32>
      %squeeze3A_240 = vector.extract %slice3A_239[0] : i32 from vector<1xi32>
      %add3A_241 = arith.addi %while3A_54, %squeeze3A_240 : i32
      %mul3A_242 = arith.constant 16 : i32
      %mul3A_243 = arith.muli %add3A_241, %mul3A_242 : i32
      %swap3A_244 = arith.index_cast %mul3A_243 : i32 to index
      %swap3A_245 = tpu.vector_load %arg9[%swap3A_244] {strides = array<i32>} : memref<16384xf32, #tpu.memory_space<vmem>>, vector<16xf32>,
      %swap3A_246 = vector.shape_cast %swap3A_245 : vector<16xf32> to vector<16xf32>
      %swap3A_247 = vector.shape_cast %get3A_238 : vector<16xf32> to vector<16xf32>
      tpu.vector_store %arg9[%swap3A_244], %swap3A_247 {strides = array<i32>} : memref<16384xf32, #tpu.memory_space<vmem>>, vector<16xf32>,
      %mul3A_248 = arith.constant 16 : i32
      %mul3A_249 = arith.muli %while3A_53, %mul3A_248 : i32
      %add3A_250 = arith.constant 7 : i32
      %add3A_251 = arith.addi %mul3A_249, %add3A_250 : i32
      %mul3A_252 = arith.constant 16 : i32
      %mul3A_253 = arith.muli %add3A_251, %mul3A_252 : i32
      %get3A_254 = arith.index_cast %mul3A_253 : i32 to index
      %get3A_255 = tpu.vector_load %arg8[%get3A_254] {strides = array<i32>} : memref<16384xf32, #tpu.memory_space<vmem>>, vector<16xf32>,
      %get3A_256 = vector.shape_cast %get3A_255 : vector<16xf32> to vector<16xf32>
      %slice3A_257 = vector.extract_strided_slice %sub3A_121 {offsets = [7], sizes = [1], strides = [1]} : vector<16xi32> to vector<1xi32>
      %squeeze3A_258 = vector.extract %slice3A_257[0] : i32 from vector<1xi32>
      %add3A_259 = arith.addi %while3A_54, %squeeze3A_258 : i32
      %mul3A_260 = arith.constant 16 : i32
      %mul3A_261 = arith.muli %add3A_259, %mul3A_260 : i32
      %swap3A_262 = arith.index_cast %mul3A_261 : i32 to index
      %swap3A_263 = tpu.vector_load %arg9[%swap3A_262] {strides = array<i32>} : memref<16384xf32, #tpu.memory_space<vmem>>, vector<16xf32>,
      %swap3A_264 = vector.shape_cast %swap3A_263 : vector<16xf32> to vector<16xf32>
      %swap3A_265 = vector.shape_cast %get3A_256 : vector<16xf32> to vector<16xf32>
      tpu.vector_store %arg9[%swap3A_262], %swap3A_265 {strides = array<i32>} : memref<16384xf32, #tpu.memory_space<vmem>>, vector<16xf32>,
      %mul3A_266 = arith.constant 16 : i32
      %mul3A_267 = arith.muli %while3A_53, %mul3A_266 : i32
      %add3A_268 = arith.constant 8 : i32
      %add3A_269 = arith.addi %mul3A_267, %add3A_268 : i32
      %mul3A_270 = arith.constant 16 : i32
      %mul3A_271 = arith.muli %add3A_269, %mul3A_270 : i32
      %get3A_272 = arith.index_cast %mul3A_271 : i32 to index
      %get3A_273 = tpu.vector_load %arg8[%get3A_272] {strides = array<i32>} : memref<16384xf32, #tpu.memory_space<vmem>>, vector<16xf32>,
      %get3A_274 = vector.shape_cast %get3A_273 : vector<16xf32> to vector<16xf32>
      %slice3A_275 = vector.extract_strided_slice %sub3A_121 {offsets = [8], sizes = [1], strides = [1]} : vector<16xi32> to vector<1xi32>
      %squeeze3A_276 = vector.extract %slice3A_275[0] : i32 from vector<1xi32>
      %add3A_277 = arith.addi %while3A_54, %squeeze3A_276 : i32
      %mul3A_278 = arith.constant 16 : i32
      %mul3A_279 = arith.muli %add3A_277, %mul3A_278 : i32
      %swap3A_280 = arith.index_cast %mul3A_279 : i32 to index
      %swap3A_281 = tpu.vector_load %arg9[%swap3A_280] {strides = array<i32>} : memref<16384xf32, #tpu.memory_space<vmem>>, vector<16xf32>,
      %swap3A_282 = vector.shape_cast %swap3A_281 : vector<16xf32> to vector<16xf32>
      %swap3A_283 = vector.shape_cast %get3A_274 : vector<16xf32> to vector<16xf32>
      tpu.vector_store %arg9[%swap3A_280], %swap3A_283 {strides = array<i32>} : memref<16384xf32, #tpu.memory_space<vmem>>, vector<16xf32>,
      %mul3A_284 = arith.constant 16 : i32
      %mul3A_285 = arith.muli %while3A_53, %mul3A_284 : i32
      %add3A_286 = arith.constant 9 : i32
      %add3A_287 = arith.addi %mul3A_285, %add3A_286 : i32
      %mul3A_288 = arith.constant 16 : i32
      %mul3A_289 = arith.muli %add3A_287, %mul3A_288 : i32
      %get3A_290 = arith.index_cast %mul3A_289 : i32 to index
      %get3A_291 = tpu.vector_load %arg8[%get3A_290] {strides = array<i32>} : memref<16384xf32, #tpu.memory_space<vmem>>, vector<16xf32>,
      %get3A_292 = vector.shape_cast %get3A_291 : vector<16xf32> to vector<16xf32>
      %slice3A_293 = vector.extract_strided_slice %sub3A_121 {offsets = [9], sizes = [1], strides = [1]} : vector<16xi32> to vector<1xi32>
      %squeeze3A_294 = vector.extract %slice3A_293[0] : i32 from vector<1xi32>
      %add3A_295 = arith.addi %while3A_54, %squeeze3A_294 : i32
      %mul3A_296 = arith.constant 16 : i32
      %mul3A_297 = arith.muli %add3A_295, %mul3A_296 : i32
      %swap3A_298 = arith.index_cast %mul3A_297 : i32 to index
      %swap3A_299 = tpu.vector_load %arg9[%swap3A_298] {strides = array<i32>} : memref<16384xf32, #tpu.memory_space<vmem>>, vector<16xf32>,
      %swap3A_300 = vector.shape_cast %swap3A_299 : vector<16xf32> to vector<16xf32>
      %swap3A_301 = vector.shape_cast %get3A_292 : vector<16xf32> to vector<16xf32>
      tpu.vector_store %arg9[%swap3A_298], %swap3A_301 {strides = array<i32>} : memref<16384xf32, #tpu.memory_space<vmem>>, vector<16xf32>,
      %mul3A_302 = arith.constant 16 : i32
      %mul3A_303 = arith.muli %while3A_53, %mul3A_302 : i32
      %add3A_304 = arith.constant 10 : i32
      %add3A_305 = arith.addi %mul3A_303, %add3A_304 : i32
      %mul3A_306 = arith.constant 16 : i32
      %mul3A_307 = arith.muli %add3A_305, %mul3A_306 : i32
      %get3A_308 = arith.index_cast %mul3A_307 : i32 to index
      %get3A_309 = tpu.vector_load %arg8[%get3A_308] {strides = array<i32>} : memref<16384xf32, #tpu.memory_space<vmem>>, vector<16xf32>,
      %get3A_310 = vector.shape_cast %get3A_309 : vector<16xf32> to vector<16xf32>
      %slice3A_311 = vector.extract_strided_slice %sub3A_121 {offsets = [10], sizes = [1], strides = [1]} : vector<16xi32> to vector<1xi32>
      %squeeze3A_312 = vector.extract %slice3A_311[0] : i32 from vector<1xi32>
      %add3A_313 = arith.addi %while3A_54, %squeeze3A_312 : i32
      %mul3A_314 = arith.constant 16 : i32
      %mul3A_315 = arith.muli %add3A_313, %mul3A_314 : i32
      %swap3A_316 = arith.index_cast %mul3A_315 : i32 to index
      %swap3A_317 = tpu.vector_load %arg9[%swap3A_316] {strides = array<i32>} : memref<16384xf32, #tpu.memory_space<vmem>>, vector<16xf32>,
      %swap3A_318 = vector.shape_cast %swap3A_317 : vector<16xf32> to vector<16xf32>
      %swap3A_319 = vector.shape_cast %get3A_310 : vector<16xf32> to vector<16xf32>
      tpu.vector_store %arg9[%swap3A_316], %swap3A_319 {strides = array<i32>} : memref<16384xf32, #tpu.memory_space<vmem>>, vector<16xf32>,
      %mul3A_320 = arith.constant 16 : i32
      %mul3A_321 = arith.muli %while3A_53, %mul3A_320 : i32
      %add3A_322 = arith.constant 11 : i32
      %add3A_323 = arith.addi %mul3A_321, %add3A_322 : i32
      %mul3A_324 = arith.constant 16 : i32
      %mul3A_325 = arith.muli %add3A_323, %mul3A_324 : i32
      %get3A_326 = arith.index_cast %mul3A_325 : i32 to index
      %get3A_327 = tpu.vector_load %arg8[%get3A_326] {strides = array<i32>} : memref<16384xf32, #tpu.memory_space<vmem>>, vector<16xf32>,
      %get3A_328 = vector.shape_cast %get3A_327 : vector<16xf32> to vector<16xf32>
      %slice3A_329 = vector.extract_strided_slice %sub3A_121 {offsets = [11], sizes = [1], strides = [1]} : vector<16xi32> to vector<1xi32>
      %squeeze3A_330 = vector.extract %slice3A_329[0] : i32 from vector<1xi32>
      %add3A_331 = arith.addi %while3A_54, %squeeze3A_330 : i32
      %mul3A_332 = arith.constant 16 : i32
      %mul3A_333 = arith.muli %add3A_331, %mul3A_332 : i32
      %swap3A_334 = arith.index_cast %mul3A_333 : i32 to index
      %swap3A_335 = tpu.vector_load %arg9[%swap3A_334] {strides = array<i32>} : memref<16384xf32, #tpu.memory_space<vmem>>, vector<16xf32>,
      %swap3A_336 = vector.shape_cast %swap3A_335 : vector<16xf32> to vector<16xf32>
      %swap3A_337 = vector.shape_cast %get3A_328 : vector<16xf32> to vector<16xf32>
      tpu.vector_store %arg9[%swap3A_334], %swap3A_337 {strides = array<i32>} : memref<16384xf32, #tpu.memory_space<vmem>>, vector<16xf32>,
      %mul3A_338 = arith.constant 16 : i32
      %mul3A_339 = arith.muli %while3A_53, %mul3A_338 : i32
      %add3A_340 = arith.constant 12 : i32
      %add3A_341 = arith.addi %mul3A_339, %add3A_340 : i32
      %mul3A_342 = arith.constant 16 : i32
      %mul3A_343 = arith.muli %add3A_341, %mul3A_342 : i32
      %get3A_344 = arith.index_cast %mul3A_343 : i32 to index
      %get3A_345 = tpu.vector_load %arg8[%get3A_344] {strides = array<i32>} : memref<16384xf32, #tpu.memory_space<vmem>>, vector<16xf32>,
      %get3A_346 = vector.shape_cast %get3A_345 : vector<16xf32> to vector<16xf32>
      %slice3A_347 = vector.extract_strided_slice %sub3A_121 {offsets = [12], sizes = [1], strides = [1]} : vector<16xi32> to vector<1xi32>
      %squeeze3A_348 = vector.extract %slice3A_347[0] : i32 from vector<1xi32>
      %add3A_349 = arith.addi %while3A_54, %squeeze3A_348 : i32
      %mul3A_350 = arith.constant 16 : i32
      %mul3A_351 = arith.muli %add3A_349, %mul3A_350 : i32
      %swap3A_352 = arith.index_cast %mul3A_351 : i32 to index
      %swap3A_353 = tpu.vector_load %arg9[%swap3A_352] {strides = array<i32>} : memref<16384xf32, #tpu.memory_space<vmem>>, vector<16xf32>,
      %swap3A_354 = vector.shape_cast %swap3A_353 : vector<16xf32> to vector<16xf32>
      %swap3A_355 = vector.shape_cast %get3A_346 : vector<16xf32> to vector<16xf32>
      tpu.vector_store %arg9[%swap3A_352], %swap3A_355 {strides = array<i32>} : memref<16384xf32, #tpu.memory_space<vmem>>, vector<16xf32>,
      %mul3A_356 = arith.constant 16 : i32
      %mul3A_357 = arith.muli %while3A_53, %mul3A_356 : i32
      %add3A_358 = arith.constant 13 : i32
      %add3A_359 = arith.addi %mul3A_357, %add3A_358 : i32
      %mul3A_360 = arith.constant 16 : i32
      %mul3A_361 = arith.muli %add3A_359, %mul3A_360 : i32
      %get3A_362 = arith.index_cast %mul3A_361 : i32 to index
      %get3A_363 = tpu.vector_load %arg8[%get3A_362] {strides = array<i32>} : memref<16384xf32, #tpu.memory_space<vmem>>, vector<16xf32>,
      %get3A_364 = vector.shape_cast %get3A_363 : vector<16xf32> to vector<16xf32>
      %slice3A_365 = vector.extract_strided_slice %sub3A_121 {offsets = [13], sizes = [1], strides = [1]} : vector<16xi32> to vector<1xi32>
      %squeeze3A_366 = vector.extract %slice3A_365[0] : i32 from vector<1xi32>
      %add3A_367 = arith.addi %while3A_54, %squeeze3A_366 : i32
      %mul3A_368 = arith.constant 16 : i32
      %mul3A_369 = arith.muli %add3A_367, %mul3A_368 : i32
      %swap3A_370 = arith.index_cast %mul3A_369 : i32 to index
      %swap3A_371 = tpu.vector_load %arg9[%swap3A_370] {strides = array<i32>} : memref<16384xf32, #tpu.memory_space<vmem>>, vector<16xf32>,
      %swap3A_372 = vector.shape_cast %swap3A_371 : vector<16xf32> to vector<16xf32>
      %swap3A_373 = vector.shape_cast %get3A_364 : vector<16xf32> to vector<16xf32>
      tpu.vector_store %arg9[%swap3A_370], %swap3A_373 {strides = array<i32>} : memref<16384xf32, #tpu.memory_space<vmem>>, vector<16xf32>,
      %mul3A_374 = arith.constant 16 : i32
      %mul3A_375 = arith.muli %while3A_53, %mul3A_374 : i32
      %add3A_376 = arith.constant 14 : i32
      %add3A_377 = arith.addi %mul3A_375, %add3A_376 : i32
      %mul3A_378 = arith.constant 16 : i32
      %mul3A_379 = arith.muli %add3A_377, %mul3A_378 : i32
      %get3A_380 = arith.index_cast %mul3A_379 : i32 to index
      %get3A_381 = tpu.vector_load %arg8[%get3A_380] {strides = array<i32>} : memref<16384xf32, #tpu.memory_space<vmem>>, vector<16xf32>,
      %get3A_382 = vector.shape_cast %get3A_381 : vector<16xf32> to vector<16xf32>
      %slice3A_383 = vector.extract_strided_slice %sub3A_121 {offsets = [14], sizes = [1], strides = [1]} : vector<16xi32> to vector<1xi32>
      %squeeze3A_384 = vector.extract %slice3A_383[0] : i32 from vector<1xi32>
      %add3A_385 = arith.addi %while3A_54, %squeeze3A_384 : i32
      %mul3A_386 = arith.constant 16 : i32
      %mul3A_387 = arith.muli %add3A_385, %mul3A_386 : i32
      %swap3A_388 = arith.index_cast %mul3A_387 : i32 to index
      %swap3A_389 = tpu.vector_load %arg9[%swap3A_388] {strides = array<i32>} : memref<16384xf32, #tpu.memory_space<vmem>>, vector<16xf32>,
      %swap3A_390 = vector.shape_cast %swap3A_389 : vector<16xf32> to vector<16xf32>
      %swap3A_391 = vector.shape_cast %get3A_382 : vector<16xf32> to vector<16xf32>
      tpu.vector_store %arg9[%swap3A_388], %swap3A_391 {strides = array<i32>} : memref<16384xf32, #tpu.memory_space<vmem>>, vector<16xf32>,
      %mul3A_392 = arith.constant 16 : i32
      %mul3A_393 = arith.muli %while3A_53, %mul3A_392 : i32
      %add3A_394 = arith.constant 15 : i32
      %add3A_395 = arith.addi %mul3A_393, %add3A_394 : i32
      %mul3A_396 = arith.constant 16 : i32
      %mul3A_397 = arith.muli %add3A_395, %mul3A_396 : i32
      %get3A_398 = arith.index_cast %mul3A_397 : i32 to index
      %get3A_399 = tpu.vector_load %arg8[%get3A_398] {strides = array<i32>} : memref<16384xf32, #tpu.memory_space<vmem>>, vector<16xf32>,
      %get3A_400 = vector.shape_cast %get3A_399 : vector<16xf32> to vector<16xf32>
      %slice3A_401 = vector.extract_strided_slice %sub3A_121 {offsets = [15], sizes = [1], strides = [1]} : vector<16xi32> to vector<1xi32>
      %squeeze3A_402 = vector.extract %slice3A_401[0] : i32 from vector<1xi32>
      %add3A_403 = arith.addi %while3A_54, %squeeze3A_402 : i32
      %mul3A_404 = arith.constant 16 : i32
      %mul3A_405 = arith.muli %add3A_403, %mul3A_404 : i32
      %swap3A_406 = arith.index_cast %mul3A_405 : i32 to index
      %swap3A_407 = tpu.vector_load %arg9[%swap3A_406] {strides = array<i32>} : memref<16384xf32, #tpu.memory_space<vmem>>, vector<16xf32>,
      %swap3A_408 = vector.shape_cast %swap3A_407 : vector<16xf32> to vector<16xf32>
      %swap3A_409 = vector.shape_cast %get3A_400 : vector<16xf32> to vector<16xf32>
      tpu.vector_store %arg9[%swap3A_406], %swap3A_409 {strides = array<i32>} : memref<16384xf32, #tpu.memory_space<vmem>>, vector<16xf32>,
      %slice3A_410 = vector.extract_strided_slice %add3A_120 {offsets = [15], sizes = [1], strides = [1]} : vector<16xi32> to vector<1xi32>
      %squeeze3A_411 = vector.extract %slice3A_410[0] : i32 from vector<1xi32>
      %add3A_412 = arith.addi %while3A_54, %squeeze3A_411 : i32
      scf.yield %add3A_412 : i32
    }
    %broadcast_in_dim3A = arith.constant 0.000000e+00 : f32
    %broadcast_in_dim3A_34 = vector.broadcast %broadcast_in_dim3A : f32 to vector<16xf32>
    %sub3A_35 = arith.constant 1024 : i32
    %sub3A_36 = arith.subi %sub3A_35, %while3A_33 : i32
    %while3A_37 = arith.constant 0 : i32
    %while3A_38 = arith.constant 0 : i32
    %while3A_39 = arith.subi %sub3A_36, %while3A_38 : i32
    %while3A_40 = arith.addi %while3A_38, %while3A_39 : i32
    %while3A_41 = arith.constant 1 : i32
    %while3A_42 = arith.divsi %while3A_39, %while3A_41 : i32
    %while3A_43 = arith.muli %while3A_42, %while3A_41 : i32
    %while3A_44 = arith.addi %while3A_38, %while3A_43 : i32
    %while3A_45 = arith.constant 1 : i32
    scf.for %while3A_53 = %while3A_38 to %while3A_44 step %while3A_45  : i32 {
      %add3A_54 = arith.addi %while3A_33, %while3A_53 : i32
      %mul3A_55 = arith.constant 16 : i32
      %mul3A_56 = arith.muli %add3A_54, %mul3A_55 : i32
      %swap3A_57 = arith.index_cast %mul3A_56 : i32 to index
      %swap3A_58 = tpu.vector_load %arg9[%swap3A_57] {strides = array<i32>} : memref<16384xf32, #tpu.memory_space<vmem>>, vector<16xf32>,
      %swap3A_59 = vector.shape_cast %swap3A_58 : vector<16xf32> to vector<16xf32>
      %swap3A_60 = vector.shape_cast %broadcast_in_dim3A_34 : vector<16xf32> to vector<16xf32>
      tpu.vector_store %arg9[%swap3A_57], %swap3A_60 {strides = array<i32>} : memref<16384xf32, #tpu.memory_space<vmem>>, vector<16xf32>,
    }
    %while3A_46 = arith.constant 1 : i32
    scf.for %while3A_53 = %while3A_44 to %while3A_40 step %while3A_46  : i32 {
      %add3A_54 = arith.addi %while3A_33, %while3A_53 : i32
      %mul3A_55 = arith.constant 16 : i32
      %mul3A_56 = arith.muli %add3A_54, %mul3A_55 : i32
      %swap3A_57 = arith.index_cast %mul3A_56 : i32 to index
      %swap3A_58 = tpu.vector_load %arg9[%swap3A_57] {strides = array<i32>} : memref<16384xf32, #tpu.memory_space<vmem>>, vector<16xf32>,
      %swap3A_59 = vector.shape_cast %swap3A_58 : vector<16xf32> to vector<16xf32>
      %swap3A_60 = vector.shape_cast %broadcast_in_dim3A_34 : vector<16xf32> to vector<16xf32>
      tpu.vector_store %arg9[%swap3A_57], %swap3A_60 {strides = array<i32>} : memref<16384xf32, #tpu.memory_space<vmem>>, vector<16xf32>,
    }
    %broadcast_in_dim3A_47 = vector.broadcast %while3A_33 : i32 to vector<16xi32>
    %swap3A = arith.constant 0 : index
    %swap3A_48 = tpu.vector_load %arg11[%swap3A] {strides = array<i32>} : memref<16xi32, #tpu.memory_space<vmem>>, vector<16xi32>,
    %swap3A_49 = vector.shape_cast %swap3A_48 : vector<16xi32> to vector<16xi32>
    %swap3A_50 = vector.shape_cast %broadcast_in_dim3A_47 : vector<16xi32> to vector<16xi32>
    tpu.vector_store %arg11[%swap3A], %swap3A_50 {strides = array<i32>} : memref<16xi32, #tpu.memory_space<vmem>>, vector<16xi32>,
    %gt3A = arith.constant 0 : i32
    %gt3A_51 = arith.cmpi sgt, %while3A_33, %gt3A : i32
    %convert_element_type3A = arith.extui %gt3A_51 : i1 to i32
    %cond3A = arith.constant 0 : i32
    %cond3A_52 = arith.cmpi ne, %convert_element_type3A, %cond3A : i32
    scf.if %cond3A_52 {
      "tpu.region"() ({
        %run_scoped3A = tpu.sem_alloc : memref<!tpu.dma_semaphore, #tpu.memory_space<semaphore_mem>>
        %dma_start3A = arith.constant 0 : i32
        %dma_start3A_53 = tpu.memref_slice %arg5[%add3A, %dma_start3A] : memref<32x16384xf32, #tpu.memory_space<hbm>> -> memref<1x16384xf32, #tpu.memory_space<hbm>>
        %dma_start3A_54 = tpu.memref_squeeze %dma_start3A_53 : memref<1x16384xf32, #tpu.memory_space<hbm>> -> memref<16384xf32, #tpu.memory_space<hbm>>
        %dma_start3A_55 = arith.constant 0 : i32
        %dma_start3A_56 = tpu.memref_slice %arg5[%add3A, %dma_start3A_55] : memref<32x16384xf32, #tpu.memory_space<hbm>> -> memref<1x16384xf32, #tpu.memory_space<hbm>>
        %dma_start3A_57 = tpu.memref_squeeze %dma_start3A_56 : memref<1x16384xf32, #tpu.memory_space<hbm>> -> memref<16384xf32, #tpu.memory_space<hbm>>
        tpu.enqueue_dma source(%arg9 : memref<16384xf32, #tpu.memory_space<vmem>>) target(%dma_start3A_57 : memref<16384xf32, #tpu.memory_space<hbm>>) target_semaphore(%run_scoped3A : memref<!tpu.dma_semaphore, #tpu.memory_space<semaphore_mem>>)
        %dma_wait3A = arith.constant 0 : i32
        %dma_wait3A_58 = tpu.memref_slice %arg5[%add3A, %dma_wait3A] : memref<32x16384xf32, #tpu.memory_space<hbm>> -> memref<1x16384xf32, #tpu.memory_space<hbm>>
        %dma_wait3A_59 = tpu.memref_squeeze %dma_wait3A_58 : memref<1x16384xf32, #tpu.memory_space<hbm>> -> memref<16384xf32, #tpu.memory_space<hbm>>
        %dma_wait3A_60 = arith.constant 0 : i32
        %dma_wait3A_61 = tpu.memref_slice %arg5[%add3A, %dma_wait3A_60] : memref<32x16384xf32, #tpu.memory_space<hbm>> -> memref<1x16384xf32, #tpu.memory_space<hbm>>
        %dma_wait3A_62 = tpu.memref_squeeze %dma_wait3A_61 : memref<1x16384xf32, #tpu.memory_space<hbm>> -> memref<16384xf32, #tpu.memory_space<hbm>>
        tpu.wait_dma2 semaphore(%run_scoped3A : memref<!tpu.dma_semaphore, #tpu.memory_space<semaphore_mem>>) src(%arg9 : memref<16384xf32, #tpu.memory_space<vmem>>) dst(%dma_wait3A_62 : memref<16384xf32, #tpu.memory_space<hbm>>)
        tpu.yield
      }) : () -> ()
    } else {
      "tpu.region"() ({
        %run_scoped3A = tpu.sem_alloc : memref<!tpu.dma_semaphore, #tpu.memory_space<semaphore_mem>>
        %dma_start3A = arith.constant 0 : i32
        %dma_start3A_53 = tpu.memref_slice %arg5[%add3A, %dma_start3A] : memref<32x16384xf32, #tpu.memory_space<hbm>> -> memref<1x16384xf32, #tpu.memory_space<hbm>>
        %dma_start3A_54 = tpu.memref_squeeze %dma_start3A_53 : memref<1x16384xf32, #tpu.memory_space<hbm>> -> memref<16384xf32, #tpu.memory_space<hbm>>
        %dma_start3A_55 = arith.constant 0 : i32
        %dma_start3A_56 = tpu.memref_slice %arg5[%add3A, %dma_start3A_55] : memref<32x16384xf32, #tpu.memory_space<hbm>> -> memref<1x16384xf32, #tpu.memory_space<hbm>>
        %dma_start3A_57 = tpu.memref_squeeze %dma_start3A_56 : memref<1x16384xf32, #tpu.memory_space<hbm>> -> memref<16384xf32, #tpu.memory_space<hbm>>
        tpu.enqueue_dma source(%arg8 : memref<16384xf32, #tpu.memory_space<vmem>>) target(%dma_start3A_57 : memref<16384xf32, #tpu.memory_space<hbm>>) target_semaphore(%run_scoped3A : memref<!tpu.dma_semaphore, #tpu.memory_space<semaphore_mem>>)
        %dma_wait3A = arith.constant 0 : i32
        %dma_wait3A_58 = tpu.memref_slice %arg5[%add3A, %dma_wait3A] : memref<32x16384xf32, #tpu.memory_space<hbm>> -> memref<1x16384xf32, #tpu.memory_space<hbm>>
        %dma_wait3A_59 = tpu.memref_squeeze %dma_wait3A_58 : memref<1x16384xf32, #tpu.memory_space<hbm>> -> memref<16384xf32, #tpu.memory_space<hbm>>
        %dma_wait3A_60 = arith.constant 0 : i32
        %dma_wait3A_61 = tpu.memref_slice %arg5[%add3A, %dma_wait3A_60] : memref<32x16384xf32, #tpu.memory_space<hbm>> -> memref<1x16384xf32, #tpu.memory_space<hbm>>
        %dma_wait3A_62 = tpu.memref_squeeze %dma_wait3A_61 : memref<1x16384xf32, #tpu.memory_space<hbm>> -> memref<16384xf32, #tpu.memory_space<hbm>>
        tpu.wait_dma2 semaphore(%run_scoped3A : memref<!tpu.dma_semaphore, #tpu.memory_space<semaphore_mem>>) src(%arg8 : memref<16384xf32, #tpu.memory_space<vmem>>) dst(%dma_wait3A_62 : memref<16384xf32, #tpu.memory_space<hbm>>)
        tpu.yield
      }) : () -> ()
    }
    "tpu.region"() ({
      %run_scoped3A = tpu.sem_alloc : memref<!tpu.dma_semaphore, #tpu.memory_space<semaphore_mem>>
      %dma_start3A = arith.constant 0 : i32
      %dma_start3A_53 = tpu.memref_slice %arg6[%add3A, %dma_start3A] : memref<32x16xi32, #tpu.memory_space<hbm>> -> memref<1x16xi32, #tpu.memory_space<hbm>>
      %dma_start3A_54 = tpu.memref_squeeze %dma_start3A_53 : memref<1x16xi32, #tpu.memory_space<hbm>> -> memref<16xi32, #tpu.memory_space<hbm>>
      %dma_start3A_55 = arith.constant 0 : i32
      %dma_start3A_56 = tpu.memref_slice %arg6[%add3A, %dma_start3A_55] : memref<32x16xi32, #tpu.memory_space<hbm>> -> memref<1x16xi32, #tpu.memory_space<hbm>>
      %dma_start3A_57 = tpu.memref_squeeze %dma_start3A_56 : memref<1x16xi32, #tpu.memory_space<hbm>> -> memref<16xi32, #tpu.memory_space<hbm>>
      tpu.enqueue_dma source(%arg11 : memref<16xi32, #tpu.memory_space<vmem>>) target(%dma_start3A_57 : memref<16xi32, #tpu.memory_space<hbm>>) target_semaphore(%run_scoped3A : memref<!tpu.dma_semaphore, #tpu.memory_space<semaphore_mem>>)
      %dma_wait3A = arith.constant 0 : i32
      %dma_wait3A_58 = tpu.memref_slice %arg6[%add3A, %dma_wait3A] : memref<32x16xi32, #tpu.memory_space<hbm>> -> memref<1x16xi32, #tpu.memory_space<hbm>>
      %dma_wait3A_59 = tpu.memref_squeeze %dma_wait3A_58 : memref<1x16xi32, #tpu.memory_space<hbm>> -> memref<16xi32, #tpu.memory_space<hbm>>
      %dma_wait3A_60 = arith.constant 0 : i32
      %dma_wait3A_61 = tpu.memref_slice %arg6[%add3A, %dma_wait3A_60] : memref<32x16xi32, #tpu.memory_space<hbm>> -> memref<1x16xi32, #tpu.memory_space<hbm>>
      %dma_wait3A_62 = tpu.memref_squeeze %dma_wait3A_61 : memref<1x16xi32, #tpu.memory_space<hbm>> -> memref<16xi32, #tpu.memory_space<hbm>>
      tpu.wait_dma2 semaphore(%run_scoped3A : memref<!tpu.dma_semaphore, #tpu.memory_space<semaphore_mem>>) src(%arg11 : memref<16xi32, #tpu.memory_space<vmem>>) dst(%dma_wait3A_62 : memref<16xi32, #tpu.memory_space<hbm>>)
      tpu.yield
    }) : () -> ()
    return
  }
}

module attributes {stable_mosaic.version = 14 : i64} {
  func.func @_keep_kernel(%arg0: i32, %arg1: memref<1x1024x5xf32, #tpu.memory_space<vmem>>, %arg2: memref<1x5x1024xf32, #tpu.memory_space<vmem>>, %arg3: memref<1x1x1xi32, #tpu.memory_space<smem>>, %arg4: memref<1x1x1024xi32, #tpu.memory_space<vmem>>) attributes {dimension_semantics = [#tpu.dimension_semantics<parallel>], iteration_bounds = array<i64: 32>, scalar_prefetch = 0 : i64, scratch_operands = 0 : i64, tpu.core_type = #tpu.core_type<tc>, window_params = [{transform_indices = @transform_0, window_bounds = array<i64: 1, 1024, 5>}, {transform_indices = @transform_1, window_bounds = array<i64: 1, 5, 1024>}, {transform_indices = @transform_2, window_bounds = array<i64: 1, 1, 1>}, {transform_indices = @transform_3, window_bounds = array<i64: 1, 1, 1024>}]} {
    %get3A = arith.constant 0 : index
    %get3A_0 = arith.constant 0 : index
    %get3A_1 = arith.constant 0 : index
    %get3A_2 = memref.load %arg3[%get3A, %get3A_0, %get3A_1] : memref<1x1x1xi32, #tpu.memory_space<smem>>
    %get3A_3 = arith.constant 0 : index
    %get3A_4 = arith.constant 0 : index
    %get3A_5 = arith.constant 0 : index
    %get3A_6 = vector.load %arg2[%get3A_3, %get3A_4, %get3A_5] : memref<1x5x1024xf32, #tpu.memory_space<vmem>>, vector<1x5x1024xf32>
    %get3A_7 = vector.shape_cast %get3A_6 : vector<1x5x1024xf32> to vector<5x1024xf32>
    %slice3A = vector.extract_strided_slice %get3A_7 {offsets = [0, 0], sizes = [1, 1024], strides = [1, 1]} : vector<5x1024xf32> to vector<1x1024xf32>
    %slice3A_8 = vector.extract_strided_slice %get3A_7 {offsets = [1, 0], sizes = [1, 1024], strides = [1, 1]} : vector<5x1024xf32> to vector<1x1024xf32>
    %slice3A_9 = vector.extract_strided_slice %get3A_7 {offsets = [2, 0], sizes = [1, 1024], strides = [1, 1]} : vector<5x1024xf32> to vector<1x1024xf32>
    %slice3A_10 = vector.extract_strided_slice %get3A_7 {offsets = [3, 0], sizes = [1, 1024], strides = [1, 1]} : vector<5x1024xf32> to vector<1x1024xf32>
    %sub3A = arith.subf %slice3A_9, %slice3A : vector<1x1024xf32>
    %sub3A_11 = arith.subf %slice3A_10, %slice3A_8 : vector<1x1024xf32>
    %mul3A = arith.mulf %sub3A, %sub3A_11 : vector<1x1024xf32>
    %iota3A = tpu.iota {dimensions = array<i32: 1>} : vector<1x1024xi32>
    %lt3A = vector.broadcast %get3A_2 : i32 to vector<1x1024xi32>
    %lt3A_12 = arith.cmpi slt, %iota3A, %lt3A : vector<1x1024xi32>
    %iota3A_13 = tpu.iota {dimensions = array<i32: 0>} : vector<128x1xi32>
    %add3A = arith.constant 128 : i32
    %add3A_14 = arith.addi %get3A_2, %add3A : i32
    %sub3A_15 = arith.constant 1 : i32
    %sub3A_16 = arith.subi %add3A_14, %sub3A_15 : i32
    %jit3A = arith.constant 128 : i32
    %div3A = arith.divsi %sub3A_16, %jit3A : i32
    %sign3A = arith.constant 0 : i32
    %sign3A_17 = arith.cmpi sgt, %sub3A_16, %sign3A : i32
    %sign3A_18 = arith.extui %sign3A_17 : i1 to i32
    %sign3A_19 = arith.constant 0 : i32
    %sign3A_20 = arith.cmpi slt, %sub3A_16, %sign3A_19 : i32
    %sign3A_21 = arith.extui %sign3A_20 : i1 to i32
    %sign3A_22 = arith.subi %sign3A_18, %sign3A_21 : i32
    %sign3A_23 = arith.constant 0 : i32
    %sign3A_24 = arith.cmpi sgt, %jit3A, %sign3A_23 : i32
    %sign3A_25 = arith.extui %sign3A_24 : i1 to i32
    %sign3A_26 = arith.constant 0 : i32
    %sign3A_27 = arith.cmpi slt, %jit3A, %sign3A_26 : i32
    %sign3A_28 = arith.extui %sign3A_27 : i1 to i32
    %sign3A_29 = arith.subi %sign3A_25, %sign3A_28 : i32
    %ne3A = arith.cmpi ne, %sign3A_22, %sign3A_29 : i32
    %rem3A = arith.remsi %sub3A_16, %jit3A : i32
    %ne3A_30 = arith.constant 0 : i32
    %ne3A_31 = arith.cmpi ne, %rem3A, %ne3A_30 : i32
    %and3A = arith.andi %ne3A, %ne3A_31 : i1
    %sub3A_32 = arith.constant 1 : i32
    %sub3A_33 = arith.subi %div3A, %sub3A_32 : i32
    %select_n3A = arith.select %and3A, %sub3A_33, %div3A : i32
    %broadcast_in_dim3A = arith.constant 0.000000e+00 : f32
    %broadcast_in_dim3A_34 = vector.broadcast %broadcast_in_dim3A : f32 to vector<1x1024xf32>
    %while3A = arith.constant 0 : i32
    %while3A_35 = arith.subi %select_n3A, %while3A : i32
    %while3A_36 = arith.addi %while3A, %while3A_35 : i32
    %while3A_37 = arith.constant 1 : i32
    %while3A_38 = arith.divsi %while3A_35, %while3A_37 : i32
    %while3A_39 = arith.muli %while3A_38, %while3A_37 : i32
    %while3A_40 = arith.addi %while3A, %while3A_39 : i32
    %while3A_41 = arith.constant 1 : i32
    %while3A_42 = scf.for %while3A_57 = %while3A to %while3A_40 step %while3A_41 iter_args(%while3A_58 = %broadcast_in_dim3A_34) -> (vector<1x1024xf32>)  : i32 {
      %mul3A_59 = arith.constant 128 : i32
      %mul3A_60 = arith.muli %while3A_57, %mul3A_59 : i32
      %get3A_61 = arith.constant 0 : index
      %get3A_62 = arith.index_cast %mul3A_60 : i32 to index
      %get3A_63 = arith.constant 0 : index
      %get3A_64 = vector.load %arg1[%get3A_61, %get3A_62, %get3A_63] : memref<1x1024x5xf32, #tpu.memory_space<vmem>>, vector<1x128x5xf32>
      %get3A_65 = vector.shape_cast %get3A_64 : vector<1x128x5xf32> to vector<128x5xf32>
      %add3A_66 = vector.broadcast %mul3A_60 : i32 to vector<128x1xi32>
      %add3A_67 = arith.addi %iota3A_13, %add3A_66 : vector<128x1xi32>
      %lt3A_68 = vector.broadcast %get3A_2 : i32 to vector<128x1xi32>
      %lt3A_69 = arith.cmpi slt, %add3A_67, %lt3A_68 : vector<128x1xi32>
      %slice3A_70 = vector.extract_strided_slice %get3A_65 {offsets = [0, 0], sizes = [128, 1], strides = [1, 1]} : vector<128x5xf32> to vector<128x1xf32>
      %jit3A_71 = arith.constant 0xFF800000 : f32
      %broadcast_in_dim3A_72 = vector.broadcast %jit3A_71 : f32 to vector<128x1xf32>
      %select_n3A_73 = arith.select %lt3A_69, %slice3A_70, %broadcast_in_dim3A_72 : vector<128x1xi1>, vector<128x1xf32>
      %slice3A_74 = vector.extract_strided_slice %get3A_65 {offsets = [0, 1], sizes = [128, 1], strides = [1, 1]} : vector<128x5xf32> to vector<128x1xf32>
      %slice3A_75 = vector.extract_strided_slice %get3A_65 {offsets = [0, 2], sizes = [128, 1], strides = [1, 1]} : vector<128x5xf32> to vector<128x1xf32>
      %slice3A_76 = vector.extract_strided_slice %get3A_65 {offsets = [0, 3], sizes = [128, 1], strides = [1, 1]} : vector<128x5xf32> to vector<128x1xf32>
      %slice3A_77 = vector.extract_strided_slice %get3A_65 {offsets = [0, 0], sizes = [128, 1], strides = [1, 1]} : vector<128x5xf32> to vector<128x1xf32>
      %sub3A_78 = arith.subf %slice3A_75, %slice3A_77 : vector<128x1xf32>
      %sub3A_79 = arith.subf %slice3A_76, %slice3A_74 : vector<128x1xf32>
      %mul3A_80 = arith.mulf %sub3A_78, %sub3A_79 : vector<128x1xf32>
      %ge3A = vector.broadcast %select_n3A_73 : vector<128x1xf32> to vector<128x1024xf32>
      %ge3A_81 = vector.broadcast %slice3A : vector<1x1024xf32> to vector<128x1024xf32>
      %ge3A_82 = arith.cmpf oge, %ge3A, %ge3A_81 : vector<128x1024xf32>
      %ge3A_83 = vector.broadcast %slice3A_74 : vector<128x1xf32> to vector<128x1024xf32>
      %ge3A_84 = vector.broadcast %slice3A_8 : vector<1x1024xf32> to vector<128x1024xf32>
      %ge3A_85 = arith.cmpf oge, %ge3A_83, %ge3A_84 : vector<128x1024xf32>
      %and3A_86 = arith.andi %ge3A_82, %ge3A_85 : vector<128x1024xi1>
      %le3A_87 = vector.broadcast %slice3A_75 : vector<128x1xf32> to vector<128x1024xf32>
      %le3A_88 = vector.broadcast %slice3A_9 : vector<1x1024xf32> to vector<128x1024xf32>
      %le3A_89 = arith.cmpf ole, %le3A_87, %le3A_88 : vector<128x1024xf32>
      %and3A_90 = arith.andi %and3A_86, %le3A_89 : vector<128x1024xi1>
      %le3A_91 = vector.broadcast %slice3A_76 : vector<128x1xf32> to vector<128x1024xf32>
      %le3A_92 = vector.broadcast %slice3A_10 : vector<1x1024xf32> to vector<128x1024xf32>
      %le3A_93 = arith.cmpf ole, %le3A_91, %le3A_92 : vector<128x1024xf32>
      %and3A_94 = arith.andi %and3A_90, %le3A_93 : vector<128x1024xi1>
      %broadcast_in_dim3A_95 = vector.shape_cast %mul3A_80 : vector<128x1xf32> to vector<128x1xf32>
      %broadcast_in_dim3A_96 = vector.broadcast %broadcast_in_dim3A_95 : vector<128x1xf32> to vector<128x1024xf32>
      %jit3A_97 = arith.constant 0.000000e+00 : f32
      %broadcast_in_dim3A_98 = vector.broadcast %jit3A_97 : f32 to vector<128x1024xf32>
      %select_n3A_99 = arith.select %and3A_94, %broadcast_in_dim3A_96, %broadcast_in_dim3A_98 : vector<128x1024xi1>, vector<128x1024xf32>
      %reduce_sum3A = arith.constant dense<0.000000e+00> : vector<1024xf32>
      %reduce_sum3A_100 = vector.multi_reduction <add>, %select_n3A_99, %reduce_sum3A [0] : vector<128x1024xf32> to vector<1024xf32>
      %broadcast_in_dim3A_101 = vector.shape_cast %reduce_sum3A_100 : vector<1024xf32> to vector<1x1024xf32>
      %add3A_102 = arith.addf %while3A_58, %broadcast_in_dim3A_101 : vector<1x1024xf32>
      scf.yield %add3A_102 : vector<1x1024xf32>
    }
    %while3A_43 = arith.constant 1 : i32
    %while3A_44 = scf.for %while3A_57 = %while3A_40 to %while3A_36 step %while3A_43 iter_args(%while3A_58 = %while3A_42) -> (vector<1x1024xf32>)  : i32 {
      %mul3A_59 = arith.constant 128 : i32
      %mul3A_60 = arith.muli %while3A_57, %mul3A_59 : i32
      %get3A_61 = arith.constant 0 : index
      %get3A_62 = arith.index_cast %mul3A_60 : i32 to index
      %get3A_63 = arith.constant 0 : index
      %get3A_64 = vector.load %arg1[%get3A_61, %get3A_62, %get3A_63] : memref<1x1024x5xf32, #tpu.memory_space<vmem>>, vector<1x128x5xf32>
      %get3A_65 = vector.shape_cast %get3A_64 : vector<1x128x5xf32> to vector<128x5xf32>
      %add3A_66 = vector.broadcast %mul3A_60 : i32 to vector<128x1xi32>
      %add3A_67 = arith.addi %iota3A_13, %add3A_66 : vector<128x1xi32>
      %lt3A_68 = vector.broadcast %get3A_2 : i32 to vector<128x1xi32>
      %lt3A_69 = arith.cmpi slt, %add3A_67, %lt3A_68 : vector<128x1xi32>
      %slice3A_70 = vector.extract_strided_slice %get3A_65 {offsets = [0, 0], sizes = [128, 1], strides = [1, 1]} : vector<128x5xf32> to vector<128x1xf32>
      %jit3A_71 = arith.constant 0xFF800000 : f32
      %broadcast_in_dim3A_72 = vector.broadcast %jit3A_71 : f32 to vector<128x1xf32>
      %select_n3A_73 = arith.select %lt3A_69, %slice3A_70, %broadcast_in_dim3A_72 : vector<128x1xi1>, vector<128x1xf32>
      %slice3A_74 = vector.extract_strided_slice %get3A_65 {offsets = [0, 1], sizes = [128, 1], strides = [1, 1]} : vector<128x5xf32> to vector<128x1xf32>
      %slice3A_75 = vector.extract_strided_slice %get3A_65 {offsets = [0, 2], sizes = [128, 1], strides = [1, 1]} : vector<128x5xf32> to vector<128x1xf32>
      %slice3A_76 = vector.extract_strided_slice %get3A_65 {offsets = [0, 3], sizes = [128, 1], strides = [1, 1]} : vector<128x5xf32> to vector<128x1xf32>
      %slice3A_77 = vector.extract_strided_slice %get3A_65 {offsets = [0, 0], sizes = [128, 1], strides = [1, 1]} : vector<128x5xf32> to vector<128x1xf32>
      %sub3A_78 = arith.subf %slice3A_75, %slice3A_77 : vector<128x1xf32>
      %sub3A_79 = arith.subf %slice3A_76, %slice3A_74 : vector<128x1xf32>
      %mul3A_80 = arith.mulf %sub3A_78, %sub3A_79 : vector<128x1xf32>
      %ge3A = vector.broadcast %select_n3A_73 : vector<128x1xf32> to vector<128x1024xf32>
      %ge3A_81 = vector.broadcast %slice3A : vector<1x1024xf32> to vector<128x1024xf32>
      %ge3A_82 = arith.cmpf oge, %ge3A, %ge3A_81 : vector<128x1024xf32>
      %ge3A_83 = vector.broadcast %slice3A_74 : vector<128x1xf32> to vector<128x1024xf32>
      %ge3A_84 = vector.broadcast %slice3A_8 : vector<1x1024xf32> to vector<128x1024xf32>
      %ge3A_85 = arith.cmpf oge, %ge3A_83, %ge3A_84 : vector<128x1024xf32>
      %and3A_86 = arith.andi %ge3A_82, %ge3A_85 : vector<128x1024xi1>
      %le3A_87 = vector.broadcast %slice3A_75 : vector<128x1xf32> to vector<128x1024xf32>
      %le3A_88 = vector.broadcast %slice3A_9 : vector<1x1024xf32> to vector<128x1024xf32>
      %le3A_89 = arith.cmpf ole, %le3A_87, %le3A_88 : vector<128x1024xf32>
      %and3A_90 = arith.andi %and3A_86, %le3A_89 : vector<128x1024xi1>
      %le3A_91 = vector.broadcast %slice3A_76 : vector<128x1xf32> to vector<128x1024xf32>
      %le3A_92 = vector.broadcast %slice3A_10 : vector<1x1024xf32> to vector<128x1024xf32>
      %le3A_93 = arith.cmpf ole, %le3A_91, %le3A_92 : vector<128x1024xf32>
      %and3A_94 = arith.andi %and3A_90, %le3A_93 : vector<128x1024xi1>
      %broadcast_in_dim3A_95 = vector.shape_cast %mul3A_80 : vector<128x1xf32> to vector<128x1xf32>
      %broadcast_in_dim3A_96 = vector.broadcast %broadcast_in_dim3A_95 : vector<128x1xf32> to vector<128x1024xf32>
      %jit3A_97 = arith.constant 0.000000e+00 : f32
      %broadcast_in_dim3A_98 = vector.broadcast %jit3A_97 : f32 to vector<128x1024xf32>
      %select_n3A_99 = arith.select %and3A_94, %broadcast_in_dim3A_96, %broadcast_in_dim3A_98 : vector<128x1024xi1>, vector<128x1024xf32>
      %reduce_sum3A = arith.constant dense<0.000000e+00> : vector<1024xf32>
      %reduce_sum3A_100 = vector.multi_reduction <add>, %select_n3A_99, %reduce_sum3A [0] : vector<128x1024xf32> to vector<1024xf32>
      %broadcast_in_dim3A_101 = vector.shape_cast %reduce_sum3A_100 : vector<1024xf32> to vector<1x1024xf32>
      %add3A_102 = arith.addf %while3A_58, %broadcast_in_dim3A_101 : vector<1x1024xf32>
      scf.yield %add3A_102 : vector<1x1024xf32>
    }
    %mul3A_45 = arith.constant 1.800000e+00 : f32
    %mul3A_46 = vector.broadcast %mul3A_45 : f32 to vector<1x1024xf32>
    %mul3A_47 = arith.mulf %mul3A_46, %mul3A : vector<1x1024xf32>
    %add3A_48 = arith.constant 8.000000e-10 : f32
    %add3A_49 = vector.broadcast %add3A_48 : f32 to vector<1x1024xf32>
    %add3A_50 = arith.addf %mul3A_47, %add3A_49 : vector<1x1024xf32>
    %le3A = arith.cmpf ole, %while3A_44, %add3A_50 : vector<1x1024xf32>
    %and3A_51 = arith.andi %le3A, %lt3A_12 : vector<1x1024xi1>
    %convert_element_type3A = arith.extui %and3A_51 : vector<1x1024xi1> to vector<1x1024xi32>
    %swap3A = arith.constant 0 : index
    %swap3A_52 = arith.constant 0 : index
    %swap3A_53 = arith.constant 0 : index
    %swap3A_54 = vector.load %arg4[%swap3A, %swap3A_52, %swap3A_53] : memref<1x1x1024xi32, #tpu.memory_space<vmem>>, vector<1x1x1024xi32>
    %swap3A_55 = vector.shape_cast %swap3A_54 : vector<1x1x1024xi32> to vector<1x1024xi32>
    %swap3A_56 = vector.shape_cast %convert_element_type3A : vector<1x1024xi32> to vector<1x1x1024xi32>
    tpu.vector_store %arg4[%swap3A, %swap3A_52, %swap3A_53], %swap3A_56 {strides = array<i32>} : memref<1x1x1024xi32, #tpu.memory_space<vmem>>, vector<1x1x1024xi32>,
    return
  }
  func.func @transform_0(%arg0: i32) -> (i32, i32, i32) {
    %c0_i32 = arith.constant 0 : i32
    %c0_i32_0 = arith.constant 0 : i32
    %c0_i32_1 = arith.constant 0 : i32
    return %arg0, %c0_i32, %c0_i32_0 : i32, i32, i32
  }
  func.func @transform_1(%arg0: i32) -> (i32, i32, i32) {
    %c0_i32 = arith.constant 0 : i32
    %c0_i32_0 = arith.constant 0 : i32
    %c0_i32_1 = arith.constant 0 : i32
    return %arg0, %c0_i32, %c0_i32_0 : i32, i32, i32
  }
  func.func @transform_2(%arg0: i32) -> (i32, i32, i32) {
    %c0_i32 = arith.constant 0 : i32
    %c0_i32_0 = arith.constant 0 : i32
    %c0_i32_1 = arith.constant 0 : i32
    return %arg0, %c0_i32, %c0_i32_0 : i32, i32, i32
  }
  func.func @transform_3(%arg0: i32) -> (i32, i32, i32) {
    %c0_i32 = arith.constant 0 : i32
    %c0_i32_0 = arith.constant 0 : i32
    %c0_i32_1 = arith.constant 0 : i32
    return %arg0, %c0_i32, %c0_i32_0 : i32, i32, i32
  }
}

</mosaic_0001>

<sc_bundles>
// kernel: kernel.4.cloned.1.call-start
scs
__scs_entry_jumppad:
0x0: {  	(pc) =	sbr.rel $0x88, $3  }
0x1: {  	(tag) =	ssettag $0x0;
	lr =	simm.s32 $0x1  }
0x2: {  	[smem:$0x3F9F] =	sst lr;
	_ =	strace $0xD0000000  }
0x3: {  	_ = 	snop  }
0x4: {  	_ = 	snop  }
0x5: {  	_ = 	snop  }
0x6: {  	_ = 	snop  }
0x7: {  	_ = 	snop  }
__scs_overlays_trampoline_lowered:
0x8: {  	[smem:$0x3FAE] =	sst s0  }
0x9: {  	[smem:$0x3FAF] =	sst s1  }
0xa: {  	[smem:$0x3FB0] =	sst s2  }
0xb: {  	[smem:$0x3FB1] =	sst s3  }
0xc: {  	[smem:$0x3FB2] =	sst s4  }
0xd: {  	[smem:$0x3FB3] =	sst s5  }
0xe: {  	[smem:$0x3FB4] =	sst s6  }
0xf: {  	[smem:$0x3FB5] =	sst s7  }
0x10: {  	[smem:$0x3FB6] =	sst s8  }
0x11: {  	[smem:$0x3FB7] =	sst s9;
	s0 =	simm.s32 @!p0 $0x0  }
0x12: {  	s1 =	sld [smem:$0x3F9D];
	s0 =	simm.s32 @p0 $0x1  }
0x13: {  	[smem:$0x3FB8] =	sst s0;
	s0 =	simm.s32 @!p1 $0x0  }
0x14: {  	s2 =	sld [smem:$0x3F9C];
	s0 =	simm.s32 @p1 $0x1  }
0x15: {  	[smem:$0x3FB9] =	sst s0;
	s0 =	simm.s32 @!p2 $0x0  }
0x16: {  	s3 =	sld [smem:$0x3FDB];
	s0 =	simm.s32 @p2 $0x1  }
0x17: {  	s4 =	simm.s32 $0x1BF5;
	[smem:$0x3FBB] =	sst s0  }
0x18: {  	s0 =	sld [smem:$0x3F9E];
	_ =	swait.ge [sflag:s4], $0x0  }
0x19: {  	s7 =	sld [smem:$0x3F9F]  }
0x1a: {  	s8 =	sadd.s32 $0xFFFFE003, lr  }
0x1b: {  	s9 =	sadd.s32 $0xFFFFFEF7, lr;
	s5 =	simm.s32 $0xFFFFFFFF;
	p2 =	slt.u32 s8, $0xFFFFF086  }
0x1c: {  	p1 =	slt.u32 s9, $0xF7A;
	s5 =	simm.s32 @!p2 $0x0  }
0x1d: {  	s5 =	simm.s32 @p1 $0x1;
	p0 =	seq.s32 s7, s2  }
0x1e: {  	s7 =	smul.u32 @!p0 $0xF7A, s2;
	p2 =	seq.s32 @!p0 s5, $0x0  }
0x1f: {  	s9 =	smul.u32 $0xF7A, s1;
	s8 =	simm.s32 @!p0 $0x1BF5;
	p2 =	por !p2, p0  }
0x20: {  	[sflag:s8] =	ssyncset.s32 @!p0 $0xFFFFF086;
	s6 =	sadd.s32 @!p0 s3, s7;
	s7 =	simm.s32 @!p0 $0x108  }
0x21: {  	s3 =	sadd.s32 s3, s9;
	s6 =	sadd.s32 @!p0 $0x88, s6;
	s7 =	simm.s32 @p2 $0x1082  }
0x22: {  	[simem:s7], [sflag:s8] =	dma.local @!p0 [hbm:s6], $0xF7A  }
0x23: {  	s9 =	sor.u32 $0xD0000000, s2;
	s6 =	simm.s32 $0x108;
	_ =	swait.ge @!p0 [sflag:s8], $0x0  }
0x24: {  	s3 =	sadd.s32 $0x88, s3;
	s6 =	simm.s32 @!p1 $0x1082;
	[sflag:s4] =	ssyncset.s32 $0xFFFFF086  }
0x25: {  	[simem:s6], [sflag:s4] =	dma.local [hbm:s3], $0xF7A  }
0x26: {  	[smem:$0x3F9F] =	sst s1;
	(tag) =	ssettag s2;
	_ =	strace s9  }
0x27: {  	s1 =	sld [smem:$0x3FAF]  }
0x28: {  	s2 =	sld [smem:$0x3FB0]  }
0x29: {  	s4 =	sld [smem:$0x3FB2]  }
0x2a: {  	p0 =	seq.s32 s5, $0x0;
	s5 =	sld [smem:$0x3FB3]  }
0x2b: {  	s6 =	sld [smem:$0x3FB4]  }
0x2c: {  	s7 =	sld [smem:$0x3FB5]  }
0x2d: {  	s3 =	simm.s32 $0x108;
	s8 =	sld [smem:$0x3FB6]  }
0x2e: {  	s3 =	simm.s32 @!p0 $0x1082;
	s9 =	sld [smem:$0x3FB7]  }
0x2f: {  	lr =	sadd.s32 s0, s3;
	s0 =	sld [smem:$0x3FAE]  }
0x30: {  	s3 =	sld [smem:$0x3FB1]  }
0x31: {  	[smem:$0x3FBA] =	sst s10  }
0x32: {  	s10 =	sld [smem:$0x3FB8];
	_ =	sdelay $0x3  }
0x33: {  	p0 =	seq.s32 s10, $0x1;
	s10 =	sld [smem:$0x3FBA];
	_ =	sdelay $0x3  }
0x34: {  	[smem:$0x3FBA] =	sst s10  }
0x35: {  	s10 =	sld [smem:$0x3FB9];
	_ =	sdelay $0x3  }
0x36: {  	p1 =	seq.s32 s10, $0x1;
	s10 =	sld [smem:$0x3FBA];
	_ =	sdelay $0x3  }
0x37: {  	[smem:$0x3FBA] =	sst s10  }
0x38: {  	s10 =	sld [smem:$0x3FBB]  }
0x39: {  	_ = 	snop;
	(pc) =	sbr.ind lr, $3  }
0x3a: {  	_ = 	snop  }
0x3b: {  	_ = 	snop  }
0x3c: {  	p2 =	seq.s32 s10, $0x1;
	s10 =	sld [smem:$0x3FBA]  }
0x3d: {  	_ =	shalt  }
0x3e: {  	_ =	shalt  }
0x3f: {  	_ =	shalt  }
0x40: {  	_ =	shalt  }
0x41: {  	_ =	shalt  }
0x42: {  	_ =	shalt  }
0x43: {  	_ =	shalt  }
0x44: {  	_ =	shalt  }
0x45: {  	_ =	shalt  }
0x46: {  	_ =	shalt  }
0x47: {  	_ =	shalt  }
0x48: {  	_ =	shalt  }
0x49: {  	_ =	shalt  }
0x4a: {  	_ =	shalt  }
0x4b: {  	_ =	shalt  }
0x4c: {  	_ =	shalt  }
0x4d: {  	_ =	shalt  }
0x4e: {  	_ =	shalt  }
0x4f: {  	_ =	shalt  }
0x50: {  	_ =	shalt  }
0x51: {  	_ =	shalt  }
0x52: {  	_ =	shalt  }
0x53: {  	_ =	shalt  }
0x54: {  	_ =	shalt  }
0x55: {  	_ =	shalt  }
0x56: {  	_ =	shalt  }
0x57: {  	_ =	shalt  }
0x58: {  	_ =	shalt  }
0x59: {  	_ =	shalt  }
0x5a: {  	_ =	shalt  }
0x5b: {  	_ =	shalt  }
0x5c: {  	_ =	shalt  }
0x5d: {  	_ =	shalt  }
0x5e: {  	_ =	shalt  }
0x5f: {  	_ =	shalt  }
0x60: {  	_ =	shalt  }
0x61: {  	_ =	shalt  }
0x62: {  	_ =	shalt  }
0x63: {  	_ =	shalt  }
0x64: {  	_ =	shalt  }
0x65: {  	_ =	shalt  }
0x66: {  	_ =	shalt  }
0x67: {  	_ =	shalt  }
0x68: {  	_ =	shalt  }
0x69: {  	_ =	shalt  }
0x6a: {  	_ =	shalt  }
0x6b: {  	_ =	shalt  }
0x6c: {  	_ =	shalt  }
0x6d: {  	_ =	shalt  }
0x6e: {  	_ =	shalt  }
0x6f: {  	_ =	shalt  }
0x70: {  	_ =	shalt  }
0x71: {  	_ =	shalt  }
0x72: {  	_ =	shalt  }
0x73: {  	_ =	shalt  }
0x74: {  	_ =	shalt  }
0x75: {  	_ =	shalt  }
0x76: {  	_ =	shalt  }
0x77: {  	_ =	shalt  }
0x78: {  	_ =	shalt  }
0x79: {  	_ =	shalt  }
0x7a: {  	_ =	shalt  }
0x7b: {  	_ =	shalt  }
0x7c: {  	_ =	shalt  }
0x7d: {  	_ =	shalt  }
0x7e: {  	_ =	shalt  }
0x7f: {  	_ =	shalt  }
0x80: {  	_ =	shalt  }
0x81: {  	_ =	shalt  }
0x82: {  	_ =	shalt  }
0x83: {  	_ =	shalt  }
0x84: {  	_ =	shalt  }
0x85: {  	_ =	shalt  }
0x86: {  	_ =	shalt  }
0x87: {  	_ =	shalt  }
.Lfunc_end0:
.L_simem_size_0:
called_computation_lowered:
.L_overlay_start_0:
0x88: {  	s2 =	sld [smem:$0x3FD9]  }
0x89: {  	s3 =	sld [smem:$0x3FFE];
	_ =	sdelay $0x1  }
0x8a: {  	s1 =	srdreg.scid  }
0x8b: {  	s0 =	sand.u32 $0x1, s1  }
0x8c: {  	s14 =	sshll.u32 s0, $0xA;
	s2 =	sadd.s32 s3, s2  }
0x8d: {  	s2 =	sadd.s32 s2, s14  }
0x8e: {  	[smem:$0x3FC6] =	sst s2  }
0x8f: {  	_ = 	snop  }
0x90: {  	s2 =	sld [smem:$0x3FD0];
	_ =	sdelay $0x2  }
0x91: {  	s15 =	simm.s32 $0xA;
	s4 =	simm.s32 $0x10  }
0x92: {  	[smem:s4], [sflag:s15] =	dma.local [hbm:s2], $0x1  }
0x93: {  	_ =	swait.eq [sflag:s15], $0x1  }
0x94: {  	[sflag:s15] =	ssyncset.done $0x0  }
0x95: {  	[sflag:s15] =	ssyncadd.s32 $0xFFFFFFFF  }
0x96: {  	s16 =	sld [smem:$0x10];
	(tm) =	ssettm $0x1  }
0x97: {  	s17 =	sld [smem:$0x3FFB];
	_ =	sdelay $0x3  }
0x98: {  	_ =	strace s17  }
0x99: {  	s3 =	sld [smem:$0x3FFC];
	_ =	sdelay $0x3  }
0x9a: {  	_ =	strace s3  }
0x9b: {  	s3 =	sld [smem:$0x3FFD];
	_ =	sdelay $0x3  }
0x9c: {  	_ =	strace s3  }
0x9d: {  	_ =	strace $0x8FFFFFFF  }
0x9e: {  	s18 =	sld [smem:$0x3FDB];
	_ =	sdelay $0x1  }
0x9f: {  	s19 =	simm.s32 $_scs_section_size  }
0xa0: {  	s5 =	simm.s32 $_size__tile_overlayer_lowered;
	s6 =	simm.s32 $_tile_overlayer_lowered  }
0xa1: {  	s22 =	simm.s32 $0x1BFF;
	s21 =	sshll.u32 s6, $0x1;
	s3 =	sadd.s32 s19, s18  }
0xa2: {  	s7 =	simm.s32 $0x0;
	s20 =	sshll.u32 s5, $0x1;
	s5 =	sadd.s32 s21, s3  }
0xa3: {  	[timem:s7], [sflag:s22] =	dma.local [hbm:s5], s20  }
0xa4: {  	_ =	swait.ge [sflag:s22], s20  }
0xa5: {  	s4 =	ssub.s32 $0x0, s20;
	[sflag:s22] =	ssyncset.done $0x0  }
0xa6: {  	[sflag:s22] =	ssyncadd.s32 s4;
	_ =	sdelay $0x1  }
0xa7: {  	s23 =	simm.s32 $0x1B8B  }
0xa8: {  	_ =	swait.ge [sflag:s23], $0x1  }
0xa9: {  	[sflag:s23] =	ssyncset.done $0x0  }
0xaa: {  	s25 =	simm.s32 $0x1B8E;
	s24 =	sld [smem:$0x3FFE];
	[sflag:s23] =	ssyncadd.s32 $0xFFFFFFFF  }
0xab: {  	s26 =	simm.s32 $execute0_lowered;
	[smem:$0x3FD2] =	sst s25  }
0xac: {  	s5 =	sshll.u32 s26, $0x1;
	_ =	strace $0x80000046;
	[dreg:$0x1] =	wrdreg $0xFFFFFFFF  }
0xad: {  	s28 =	simm.s32 $_size_execute0_lowered;
	s3 =	sadd.s32 s3, s5;
	[dreg:$0x0] =	wrdreg $0x0  }
0xae: {  	s5 =	sshll.u32 s28, $0x1;
	[dreg:$0x2] =	wrdreg s3  }
0xaf: {  	[dreg:$0x3] =	wrdreg s5  }
0xb0: {  	[dreg:$0x4] =	wrdreg $0xC0  }
0xb1: {  	_ =	task [dreg:s7], $0x5FFFF  }
0xb2: {  	[dreg:$0x1] =	wrdreg $0xFFFFFFFF  }
0xb3: {  	[dreg:$0x0] =	wrdreg $0x60  }
0xb4: {  	[dreg:$0x2] =	wrdreg s24  }
0xb5: {  	[dreg:$0x3] =	wrdreg s16  }
0xb6: {  	[dreg:$0x4] =	wrdreg $0x9  }
0xb7: {  	_ =	task.clear_ibuf [dreg:s7], $0x5FFFF;
	_ =	strace $0x90000046  }
0xb8: {  	s29 =	simm.s32 $0x9;
	_ =	strace $0x80000048  }
0xb9: {  	_ =	swait.ge [sflag:s29], $0x1  }
0xba: {  	[sflag:s29] =	ssyncadd.s32 $0xFFFFFFFF  }
0xbb: {  	_ =	strace $0x90000048  }
0xbc: {  	_ =	sfence  }
0xbd: {  	s30 =	sld [smem:$0x0];
	_ =	sdelay $0x2  }
0xbe: {  	s31 =	sshll.u32 s1, $0xD;
	s1 =	sshrl.u32 s1, $0x2  }
0xbf: {  	s3 =	sand.u32 $0x4000, s31;
	s1 =	sadd.s32 s1, s30  }
0xc0: {  	s0 =	sor.u32 s3, s0;
	s1 =	sshll.u32 s1, $0x11  }
0xc1: {  	s0 =	sor.u32 s1, s0  }
0xc2: {  	s0 =	sadd.s32 $0x8F2B, s0  }
0xc3: {  	[sflag:s0] =	ssyncadd.remote.s32 $0x1  }
0xc4: {  	_ =	sfence.sel $0xFFFF  }
0xc5: {  	[dreg:$0x0] =	wrdreg $0xFFFFFFFF;
	(pc) =	sbr.abs _section_cstart, $3  }
0xc6: {  	[dreg:$0x1] =	wrdreg $0xFFFFFFFF  }
0xc7: {  	_ =	task.clear_ibuf [dreg:s7], $0x2FFFF;
	_ =	strace $0x9FFFFFFF  }
0xc8: {  	(tm) =	ssettm $0x7FFFFFFF  }
0xc9: {  	_ =	shalt  }
tec
execute0_lowered:
.L_overlay_start_1:
0x0: {  	(tag) =	ssettag $0x1  }
0x1: {  	s1 =	srdreg.scid;
	s3 =	rddreg [dreg:$0x0]  }
0x2: {  	v0 =	vimm.s32 $0x65432100;
	s0 =	stileid.u32;
	v1 =	vimm.s32 $0xEDCBA987;
	s6 =	rddreg [dreg:$0x1];
	v2 =	vimm.s32 $0x54321000;
	s11 =	simm.s32 $0x1  }
0x3: {  	v3 =	vimm.s32 $0xDCBA9876;
	v4 =	vimm.s32 $0xBA987654;
	s12 =	simm.s32 $0x8400;
	s13 =	simm.s32 $0x8480;
	s14 =	simm.s32 $0x0  }
0x4: {  	v5 =	vimm.s32 $0x32100000;
	v6 =	vimm.s32 $0xE40000;
	v0 =	vunpack.c.l.s4.s8 v0;
	s4 =	sand.u32 $0x1, s1;
	s28 =	sshll.u32 s0, $0x8;
	s5 =	sshrl.u32 s0, $0x2  }
0x5: {  	v1 =	vunpack.c.l.s4.s8 v1;
	v2 =	vunpack.c.l.s4.s8 v2;
	v3 =	vunpack.c.l.s4.s8 v3;
	s2 =	sshll.u32 s4, $0x7;
	s1 =	sand.u32 $0x300, s28;
	s8 =	sshll.u32 s5, $0x11  }
0x6: {  	v4 =	vunpack.c.l.s4.s8 v4;
	v5 =	vunpack.c.l.s4.s8 v5;
	v6 =	vunpack.c.l.s2.s4 v6;
	s9 =	sshll.u32 s5, $0xA;
	s4 =	ssub.s32 $0x2, s4;
	s5 =	sshll.u32 s5, $0xD  }
0x7: {  	v0 =	vunpack.c.0.s8.s32 v0;
	s7 =	sor.u32 s2, s1;
	v1 =	vunpack.c.0.s8.s32 v1;
	s1 =	rddreg [dreg:$0x2];
	s2 =	simm.s32 $0x0;
	v3 =	vunpack.c.0.s8.s32 v3  }
0x8: {  	v2 =	vunpack.c.0.s8.s32 v2;
	v4 =	vunpack.c.0.s8.s32 v4;
	s10 =	sshrl.u32 s4, $0x1;
	v5 =	vunpack.c.0.s8.s32 v5;
	s8 =	sor.u32 s8, s7;
	[smem:$0x7FF] =	sst s2  }
0x9: {  	v6 =	vunpack.c.l.s4.s8 v6;
	s9 =	sor.u32 s9, s7;
	s5 =	sor.u32 s5, s7;
	s30 =	ssub.s32 s4, s10;
	v1 =	vand.u32 $0xF, v1;
	v3 =	vand.u32 $0xF, v3  }
.Ltmp0:
0xa: {  	s10 =	simm.s32 $0x400;
	s8 =	sshrl.u32 s8, $0x3;
	v0 =	vcombine.low v0, v1;
	v1 =	vcombine.low v2, v3;
	v2 =	vand.u32 $0xF, v4;
	(pc) =	sbr.rel .LBB2_1-.Ltmp0, $4  }
0xb: {  	_ =	strace $0x80000047;
	s9 =	sshrl.u32 s9, $0x3;
	s31 =	sshrl.u32 s5, $0x3;
	v4 =	vimm.s32 $0x7060504;
	v2 =	vcombine.low v5, v2;
	v5 =	vunpack.c.0.s8.s32 v6  }
0xc: {  	vm0 =	vmmov $0x3;
	vm1 =	vmmov $0xf;
	s8 =	sadd.s32 s8, s3;
	s29 =	sadd.s32 s9, s3;
	s3 =	sadd.s32 s6, s31;
	v4 =	vunpack.c.0.s8.s32 v4  }
0xd: {  	vm2 =	vcmask $0x3F30;
	v3 =	vlaneseq.u32;
	s9 =	simm.s32 $0x80;
	s4 =	sadd.s32 $0xA00, s8;
	s5 =	sadd.s32 $0x10A00, s29;
	v5 =	vand.u32 $0x3, v5  }
0xe: {  	s6 =	sadd.s32 $0x10C00, s8;
	s7 =	sadd.s32 $0x20C00, s29;
	s8 =	smax.u32 s30, $0x1;
	v4 =	vsel vm2, v4, v5;
	vm2 =	vmmov $0xff;
	v5 =	vimm.f32 $0.0e+00  }
.LBB2_8:
0xf: {  	v6 =	vmov s16;
	p0 =	sgt.s32 s16, $0x0;
	s15 =	simm.s32 $0x4400  }
0x10: {  	[tilespmem:$0x8480] =	vst v6;
	s15 =	simm.s32 @!p0 $0x400  }
0x11: {  	[hbm4b:s6+s9] =	stream.strided.scatter [tilespmem:s15], [sflag:$0x1], $0x4000, s10, s9, $0x38;
	[tilespmem:$0x8500] =	vst v63  }
0x12: {  	s14 =	sadd.s32 $0x1, s14;
	_ =	swait.ge [sflag:s11], $0x4000  }
0x13: {  	p0 =	sne.s32 s14, s8;
	[sflag:s11] =	ssyncset.done $0x0  }
.Ltmp1:
0x14: {  	[sflag:s11] =	ssyncadd.s32 $0xFFFFC000;
	(pc) =	sbr.rel @!p0 .LBB2_9-.Ltmp1, $4  }
0x15: {  	[hbm4b:s7+s2] =	stream.linear.scatter [tilespmem:s13], [sflag:$0x1], $0x80, $0x38;
	[tilespmem:$0x8500] =	vst v63  }
0x16: {  	_ =	swait.ge [sflag:s11], $0x80  }
0x17: {  	[sflag:s11] =	ssyncset.done $0x0  }
0x18: {  	[sflag:s11] =	ssyncadd.s32 $0xFFFFFF80  }
.LBB2_1:
0x19: {  	[tilespmem:s2], [sflag:$0x1] =	stream.strided.gather [hbm4b:s3+s9], $0x400, s10, s9, $0x38;
	[tilespmem:$0x8500] =	vst v63  }
0x1a: {  	_ =	swait.ge [sflag:s11], $0x400  }
0x1b: {  	[sflag:s11] =	ssyncset.done $0x0  }
0x1c: {  	[sflag:s11] =	ssyncadd.s32 $0xFFFFFC00  }
0x1d: {  	[tilespmem:s10], [sflag:$0x1] =	stream.strided.gather [hbm4b:s4+s9], $0x4000, s10, s9, $0x38;
	[tilespmem:$0x8500] =	vst v63  }
0x1e: {  	_ =	swait.ge [sflag:s11], $0x4000  }
0x1f: {  	[sflag:s11] =	ssyncset.done $0x0  }
0x20: {  	[sflag:s11] =	ssyncadd.s32 $0xFFFFC000  }
0x21: {  	[tilespmem:s12], [sflag:$0x1] =	stream.linear.gather [hbm4b:s5+s2], $0x80, $0x38;
	[tilespmem:$0x8500] =	vst v63  }
0x22: {  	_ =	swait.ge [sflag:s11], $0x80  }
0x23: {  	[sflag:s11] =	ssyncset.done $0x0  }
0x24: {  	[sflag:s11] =	ssyncadd.s32 $0xFFFFFF80  }
0x25: {  	v6 =	vld [tilespmem:$0x8400];
	_ =	sdelay $0x4  }
0x26: {  	(v2sf) =	vpush v6, $0x0;
	_ =	sdelay $0xe  }
0x27: {  	s15 =	spop (v2sf)  }
0x28: {  	s15 =	sadd.s32 $0xF, s15  }
0x29: {  	s16 =	sand.u32 $0xF, s15  }
0x2a: {  	s17 =	sshra.s32 s15, $0x1F;
	p0 =	slt.s32 s15, $0x1;
	p1 =	sne.s32 s16, $0x0  }
0x2b: {  	s31 =	sshrl.u32 s17, $0x1C;
	p0 =	por !p0, !p1  }
0x2c: {  	s16 =	simm.s32 $0x1;
	s15 =	sadd.s32 s31, s15;
	p0 =	por !p0, !p0  }
0x2d: {  	s15 =	sshra.s32 s15, $0x4;
	s16 =	simm.s32 @!p0 $0x0  }
0x2e: {  	s17 =	ssub.s32 s15, s16  }
0x2f: {  	p0 =	slt.s32 s17, $0x1  }
.Ltmp2:
0x30: {  	_ = 	snop;
	(pc) =	sbr.rel @p0 .LBB2_5-.Ltmp2, $2  }
0x31: {  	_ =	sdelay $0x2  }
0x32: {  	s15 =	simm.s32 $0x480;
	s16 =	simm.s32 $0x0  }
0x33: {  	v6 =	vld [tilespmem:s2+$0x0];
	_ =	sdelay $0x4  }
0x34: {  	v7 =	vperm.xlane v6, v0  }
0x35: {  	vm3 =	veq.s32 v3, $0x0  }
0x36: {  	v7 =	vsel vm3, $0x0, v7  }
0x37: {  	v7 =	vadd.s32 v6, v7  }
0x38: {  	v8 =	vperm.xlane v7, v1;
	_ =	sdelay $0x1  }
0x39: {  	v8 =	vsel vm0, $0x0, v8  }
0x3a: {  	v7 =	vadd.s32 v8, v7  }
0x3b: {  	v8 =	vperm.xlane v7, v2;
	_ =	sdelay $0x1  }
0x3c: {  	v8 =	vsel vm1, $0x0, v8  }
0x3d: {  	v7 =	vadd.s32 v8, v7  }
0x3e: {  	v8 =	vperm.xlane v7, v4;
	_ =	sdelay $0x1  }
0x3f: {  	v8 =	vsel vm2, $0x0, v8  }
0x40: {  	v7 =	vadd.s32 v8, v7  }
0x41: {  	v6 =	vsub.s32 v7, v6  }
0x42: {  	v6 =	vadd.s32 s2, v6  }
0x43: {  	v6 =	vshll.u32 v6, $0x6  }
0x44: {  	v6 =	vshra.s32 v6, $0x2  }
0x45: {  	(v2sf) =	vpush v7, $0xF;
	v6 =	vadd.s32 $0x4400, v6  }
0x46: {  	(v2sf) =	vpush v6, $0x0;
	_ =	sdelay $0x5  }
0x47: {  	(v2sf) =	vpush v6, $0x1;
	_ =	sdelay $0x4  }
0x48: {  	v7 =	vld [tilespmem:s15+$0xFFFFFF80]  }
0x49: {  	(v2sf) =	vpush v6, $0x2;
	_ =	sdelay $0x1  }
0x4a: {  	s16 =	spop (v2sf)  }
0x4b: {  	s18 =	spop (v2sf)  }
0x4c: {  	[tilespmem:s18+$0x0] =	vst v7  }
0x4d: {  	v7 =	vld [tilespmem:s15+$0xFFFFFF90]  }
0x4e: {  	(v2sf) =	vpush v6, $0x3;
	_ =	sdelay $0x2  }
0x4f: {  	s30 =	spop (v2sf)  }
0x50: {  	[tilespmem:s30+$0x0] =	vst v7  }
0x51: {  	v7 =	vld [tilespmem:s15+$0xFFFFFFA0]  }
0x52: {  	(v2sf) =	vpush v6, $0x4;
	_ =	sdelay $0x2  }
0x53: {  	s31 =	spop (v2sf)  }
0x54: {  	[tilespmem:s31+$0x0] =	vst v7  }
0x55: {  	v7 =	vld [tilespmem:s15+$0xFFFFFFB0]  }
0x56: {  	(v2sf) =	vpush v6, $0x5;
	_ =	sdelay $0x2  }
0x57: {  	s19 =	spop (v2sf)  }
0x58: {  	[tilespmem:s19+$0x0] =	vst v7  }
0x59: {  	v7 =	vld [tilespmem:s15+$0xFFFFFFC0]  }
0x5a: {  	(v2sf) =	vpush v6, $0x6;
	_ =	sdelay $0x2  }
0x5b: {  	s20 =	spop (v2sf)  }
0x5c: {  	[tilespmem:s20+$0x0] =	vst v7  }
0x5d: {  	v7 =	vld [tilespmem:s15+$0xFFFFFFD0]  }
0x5e: {  	(v2sf) =	vpush v6, $0x7;
	_ =	sdelay $0x2  }
0x5f: {  	s21 =	spop (v2sf)  }
0x60: {  	[tilespmem:s21+$0x0] =	vst v7  }
0x61: {  	v7 =	vld [tilespmem:s15+$0xFFFFFFE0]  }
0x62: {  	(v2sf) =	vpush v6, $0x8;
	_ =	sdelay $0x2  }
0x63: {  	s22 =	spop (v2sf)  }
0x64: {  	[tilespmem:s22+$0x0] =	vst v7  }
0x65: {  	v7 =	vld [tilespmem:s15+$0xFFFFFFF0]  }
0x66: {  	(v2sf) =	vpush v6, $0x9;
	_ =	sdelay $0x2  }
0x67: {  	s23 =	spop (v2sf)  }
0x68: {  	[tilespmem:s23+$0x0] =	vst v7  }
0x69: {  	v7 =	vld [tilespmem:s15+$0x0]  }
0x6a: {  	(v2sf) =	vpush v6, $0xA;
	_ =	sdelay $0x2  }
0x6b: {  	s24 =	spop (v2sf)  }
0x6c: {  	[tilespmem:s24+$0x0] =	vst v7  }
0x6d: {  	v7 =	vld [tilespmem:s15+$0x10]  }
0x6e: {  	(v2sf) =	vpush v6, $0xB;
	_ =	sdelay $0x2  }
0x6f: {  	s25 =	spop (v2sf)  }
0x70: {  	[tilespmem:s25+$0x0] =	vst v7  }
0x71: {  	v7 =	vld [tilespmem:s15+$0x20]  }
0x72: {  	(v2sf) =	vpush v6, $0xC;
	_ =	sdelay $0x2  }
0x73: {  	s26 =	spop (v2sf)  }
0x74: {  	[tilespmem:s26+$0x0] =	vst v7  }
0x75: {  	v7 =	vld [tilespmem:s15+$0x30]  }
0x76: {  	(v2sf) =	vpush v6, $0xD;
	_ =	sdelay $0x2  }
0x77: {  	s28 =	spop (v2sf)  }
0x78: {  	[tilespmem:s28+$0x0] =	vst v7  }
0x79: {  	v7 =	vld [tilespmem:s15+$0x40]  }
0x7a: {  	(v2sf) =	vpush v6, $0xE;
	_ =	sdelay $0x2  }
0x7b: {  	s29 =	spop (v2sf)  }
0x7c: {  	[tilespmem:s29+$0x0] =	vst v7  }
0x7d: {  	(v2sf) =	vpush v6, $0xF;
	v6 =	vld [tilespmem:s15+$0x50];
	_ =	sdelay $0x3  }
0x7e: {  	s30 =	spop (v2sf)  }
0x7f: {  	[tilespmem:s30+$0x0] =	vst v6  }
0x80: {  	v6 =	vld [tilespmem:s15+$0x60];
	_ =	sdelay $0x3  }
0x81: {  	s31 =	spop (v2sf)  }
0x82: {  	p0 =	sne.s32 s17, $0x1;
	[tilespmem:s31+$0x0] =	vst v6  }
.Ltmp3:
0x83: {  	v6 =	vld [tilespmem:s15+$0x70];
	(pc) =	sbr.rel @!p0 .LBB2_4-.Ltmp3, $3  }
0x84: {  	_ =	sdelay $0x1  }
0x85: {  	s17 =	sadd.s32 $0xFFFFFFFF, s17  }
0x86: {  	s16 =	sadd.s32 s2, s16;
	s18 =	simm.s32 $0x0;
	s19 =	spop (v2sf)  }
.LBB2_3:
0x87: {  	p0 =	sne.s32 s17, $0x1;
	[tilespmem:s19+$0x0] =	vst v6;
	s18 =	sadd.s32 $0x10, s18;
	s15 =	sadd.s32 $0x100, s15  }
0x88: {  	s17 =	sadd.s32 $0xFFFFFFFF, s17;
	v6 =	vld [tilespmem:s18+$0x0];
	_ =	sdelay $0x4  }
0x89: {  	v7 =	vperm.xlane v6, v0;
	_ =	sdelay $0x1  }
0x8a: {  	v7 =	vsel vm3, $0x0, v7  }
0x8b: {  	v7 =	vadd.s32 v6, v7  }
0x8c: {  	v8 =	vperm.xlane v7, v1;
	_ =	sdelay $0x1  }
0x8d: {  	v8 =	vsel vm0, $0x0, v8  }
0x8e: {  	v7 =	vadd.s32 v8, v7  }
0x8f: {  	v8 =	vperm.xlane v7, v2;
	_ =	sdelay $0x1  }
0x90: {  	v8 =	vsel vm1, $0x0, v8  }
0x91: {  	v7 =	vadd.s32 v8, v7  }
0x92: {  	v8 =	vperm.xlane v7, v4;
	_ =	sdelay $0x1  }
0x93: {  	v8 =	vsel vm2, $0x0, v8  }
0x94: {  	v7 =	vadd.s32 v8, v7  }
0x95: {  	v6 =	vsub.s32 v7, v6;
	(v2sf) =	vpush v7, $0xF  }
0x96: {  	v6 =	vadd.s32 s16, v6  }
0x97: {  	v6 =	vshll.u32 v6, $0x6  }
0x98: {  	v6 =	vshra.s32 v6, $0x2  }
0x99: {  	v6 =	vadd.s32 $0x4400, v6  }
0x9a: {  	(v2sf) =	vpush v6, $0x0;
	_ =	sdelay $0x5  }
0x9b: {  	(v2sf) =	vpush v6, $0x1;
	_ =	sdelay $0x3  }
0x9c: {  	s19 =	spop (v2sf)  }
0x9d: {  	v7 =	vld [tilespmem:s15+$0xFFFFFF80];
	s16 =	sadd.s32 s16, s19  }
0x9e: {  	(v2sf) =	vpush v6, $0x2;
	_ =	sdelay $0x2  }
0x9f: {  	s19 =	spop (v2sf)  }
0xa0: {  	[tilespmem:s19+$0x0] =	vst v7  }
0xa1: {  	v7 =	vld [tilespmem:s15+$0xFFFFFF90]  }
0xa2: {  	(v2sf) =	vpush v6, $0x3;
	_ =	sdelay $0x2  }
0xa3: {  	s19 =	spop (v2sf)  }
0xa4: {  	[tilespmem:s19+$0x0] =	vst v7  }
0xa5: {  	v7 =	vld [tilespmem:s15+$0xFFFFFFA0]  }
0xa6: {  	(v2sf) =	vpush v6, $0x4;
	_ =	sdelay $0x2  }
0xa7: {  	s19 =	spop (v2sf)  }
0xa8: {  	[tilespmem:s19+$0x0] =	vst v7  }
0xa9: {  	v7 =	vld [tilespmem:s15+$0xFFFFFFB0]  }
0xaa: {  	(v2sf) =	vpush v6, $0x5;
	_ =	sdelay $0x2  }
0xab: {  	s19 =	spop (v2sf)  }
0xac: {  	[tilespmem:s19+$0x0] =	vst v7  }
0xad: {  	v7 =	vld [tilespmem:s15+$0xFFFFFFC0]  }
0xae: {  	(v2sf) =	vpush v6, $0x6;
	_ =	sdelay $0x2  }
0xaf: {  	s19 =	spop (v2sf)  }
0xb0: {  	[tilespmem:s19+$0x0] =	vst v7  }
0xb1: {  	v7 =	vld [tilespmem:s15+$0xFFFFFFD0]  }
0xb2: {  	(v2sf) =	vpush v6, $0x7;
	_ =	sdelay $0x2  }
0xb3: {  	s19 =	spop (v2sf)  }
0xb4: {  	[tilespmem:s19+$0x0] =	vst v7  }
0xb5: {  	v7 =	vld [tilespmem:s15+$0xFFFFFFE0]  }
0xb6: {  	(v2sf) =	vpush v6, $0x8;
	_ =	sdelay $0x2  }
0xb7: {  	s19 =	spop (v2sf)  }
0xb8: {  	[tilespmem:s19+$0x0] =	vst v7  }
0xb9: {  	v7 =	vld [tilespmem:s15+$0xFFFFFFF0]  }
0xba: {  	(v2sf) =	vpush v6, $0x9;
	_ =	sdelay $0x2  }
0xbb: {  	s19 =	spop (v2sf)  }
0xbc: {  	[tilespmem:s19+$0x0] =	vst v7  }
0xbd: {  	v7 =	vld [tilespmem:s15+$0x0]  }
0xbe: {  	(v2sf) =	vpush v6, $0xA;
	_ =	sdelay $0x2  }
0xbf: {  	s19 =	spop (v2sf)  }
0xc0: {  	[tilespmem:s19+$0x0] =	vst v7  }
0xc1: {  	v7 =	vld [tilespmem:s15+$0x10]  }
0xc2: {  	(v2sf) =	vpush v6, $0xB;
	_ =	sdelay $0x2  }
0xc3: {  	s19 =	spop (v2sf)  }
0xc4: {  	[tilespmem:s19+$0x0] =	vst v7  }
0xc5: {  	v7 =	vld [tilespmem:s15+$0x20]  }
0xc6: {  	(v2sf) =	vpush v6, $0xC;
	_ =	sdelay $0x2  }
0xc7: {  	s19 =	spop (v2sf)  }
0xc8: {  	[tilespmem:s19+$0x0] =	vst v7  }
0xc9: {  	v7 =	vld [tilespmem:s15+$0x30]  }
0xca: {  	(v2sf) =	vpush v6, $0xD;
	_ =	sdelay $0x2  }
0xcb: {  	s19 =	spop (v2sf)  }
0xcc: {  	[tilespmem:s19+$0x0] =	vst v7  }
0xcd: {  	v7 =	vld [tilespmem:s15+$0x40]  }
0xce: {  	(v2sf) =	vpush v6, $0xE;
	_ =	sdelay $0x2  }
0xcf: {  	s19 =	spop (v2sf)  }
0xd0: {  	[tilespmem:s19+$0x0] =	vst v7  }
0xd1: {  	v7 =	vld [tilespmem:s15+$0x50]  }
0xd2: {  	(v2sf) =	vpush v6, $0xF;
	_ =	sdelay $0x2  }
0xd3: {  	s19 =	spop (v2sf)  }
0xd4: {  	[tilespmem:s19+$0x0] =	vst v7  }
0xd5: {  	v6 =	vld [tilespmem:s15+$0x60];
	_ =	sdelay $0x3  }
0xd6: {  	s19 =	spop (v2sf)  }
0xd7: {  	[tilespmem:s19+$0x0] =	vst v6  }
.Ltmp4:
0xd8: {  	v6 =	vld [tilespmem:s15+$0x70];
	(pc) =	sbr.rel @p0 .LBB2_3-.Ltmp4, $2  }
0xd9: {  	_ =	sdelay $0x2  }
0xda: {  	s19 =	spop (v2sf)  }
.LBB2_4:
0xdb: {  	[tilespmem:s19+$0x0] =	vst v6  }
.LBB2_5:
0xdc: {  	s17 =	ssub.s32 $0x400, s16  }
0xdd: {  	p0 =	slt.s32 s17, $0x1  }
.Ltmp5:
0xde: {  	_ = 	snop;
	(pc) =	sbr.rel @p0 .LBB2_8-.Ltmp5, $1  }
0xdf: {  	_ =	sdelay $0x3  }
0xe0: {  	p0 =	sne.s32 s17, $0x1  }
.Ltmp6:
0xe1: {  	_ = 	snop;
	(pc) =	sbr.rel @!p0 .LBB2_8-.Ltmp6, $4  }
0xe2: {  	s15 =	sshll.u32 s16, $0x6  }
0xe3: {  	s15 =	sshra.s32 s15, $0x2  }
0xe4: {  	s15 =	sadd.s32 $0x4400, s15  }
0xe5: {  	s17 =	sadd.s32 $0xFFFFFFFF, s17;
	[tilespmem:s15+$0x0] =	vst v5  }
.LBB2_7:
0xe6: {  	p0 =	sne.s32 s17, $0x1  }
.Ltmp7:
0xe7: {  	_ = 	snop;
	(pc) =	sbr.rel @p0 .LBB2_7-.Ltmp7, $3  }
0xe8: {  	_ =	sdelay $0x1  }
0xe9: {  	s17 =	sadd.s32 $0xFFFFFFFF, s17;
	s15 =	sadd.s32 $0x10, s15  }
0xea: {  	[tilespmem:s15+$0x0] =	vst v5  }
.Ltmp8:
0xeb: {  	_ = 	snop;
	(pc) =	sbr.rel .LBB2_8-.Ltmp8, $1  }
0xec: {  	_ =	sdelay $0x3  }
.LBB2_9:
0xed: {  	_ =	sfence.sel $0x180000  }
0xee: {  	[bflag:$0x0] =	sbarrier.arrive $0xFFFF  }
0xef: {  	p0 =	sne.s32 s0, $0x0;
	_ =	strace $0x90000047  }
0xf0: {  	s0 =	sadd.s32 @!p0 $0x100000, s1;
	[bflag:$0x2] =	sbarrier.arrive $0xFFFF  }
0xf1: {  	[sflag:s0] =	ssyncadd.tile.s32 @!p0 $0x1;
	_ =	shalt  }
.Lfunc_end2:
_tile_overlayer_lowered:
.L_overlay_start_2:
0xf2: {  	(tag) =	ssettag $0x2  }
0xf3: {  	s0 =	rddreg [dreg:$0x0];
	s2 =	stileid.u32  }
0xf4: {  	s1 =	rddreg [dreg:$0x1];
	p0 =	sne.s32 s2, $0x0  }
0xf5: {  	s3 =	rddreg [dreg:$0x2];
	[bflag:$0x3] =	sbarrier.arrive $0xFFFF;
	s2 =	simm.s32 @!p0 $0x1C01  }
0xf6: {  	[timem:s3], [sflag:s2] =	dma.local @!p0 [hbm:s0], s1  }
0xf7: {  	s0 =	simm.s32 @!p0 $0x1  }
0xf8: {  	_ =	swait.ge @!p0 [sflag:s0], s1  }
0xf9: {  	s1 =	ssub.s32 @!p0 $0x0, s1;
	[sflag:s0] =	ssyncset.done @!p0 $0x0  }
0xfa: {  	[sflag:s0] =	ssyncadd.s32 @!p0 s1  }
0xfb: {  	[bflag:$0x3] =	sbarrier.arrive $0xFFFF  }
0xfc: {  	_ =	shalt  }

</sc_bundles>
